<compile_context>
chip_gen: v7x
topology: tpu7x:2x2x1
jax: 0.10.2.dev20260603
libtpu: 0.0.44.dev20260713+nightly
codegen_flags: <defaults>
</compile_context>

<pallas_src>
import jax
import jax.numpy as jnp
from jax import lax
from jax.experimental import pallas as pl
from jax.experimental.pallas import tpu as pltpu
from jax.experimental.pallas import tpu_sc as plsc

D = 32
L = 200
B = 4096
N = B * L
V = 1000000
NC, NS = 2, 16
NW = NC * NS
BPW = B // NW
PER_W = N // NW
RPC = 8
CHUNK = RPC * L
NCH = BPW // RPC
SUB = 80
NSUB = CHUNK // SUB
LANES = 16
_COLS = [k * LANES for k in range(L // LANES)] + [L - LANES]


def _flatten_body(x_hbm, out_hbm, xb, xf, sem):
    wid = lax.axis_index("s") * NC + lax.axis_index("c")
    b0 = pl.multiple_of(wid * BPW, BPW)
    pltpu.sync_copy(x_hbm.at[pl.ds(b0, BPW)], xb)

    def row(r, _):
        for col in _COLS:
            xf[pl.ds(r * L + col, LANES)] = xb[r, pl.ds(col, LANES)]
        return 0

    lax.fori_loop(0, BPW, row, 0)
    pltpu.sync_copy(xf, out_hbm.at[pl.ds(wid * PER_W, PER_W)])


def _gather_body(x_hbm, table_hbm, pos_hbm, out_hbm, idx_v, gbuf, dest_v,
                 pos_v, sem):
    wid = lax.axis_index("s") * NC + lax.axis_index("c")
    base_w = pl.multiple_of(wid * PER_W, PER_W)
    pltpu.sync_copy(pos_hbm, pos_v)

    def chunk_body(ch, _):
        base = pl.multiple_of(base_w + ch * CHUNK, CHUNK)
        pltpu.sync_copy(x_hbm.at[pl.ds(base, CHUNK)], idx_v)
        copies = [
            pltpu.async_copy(
                table_hbm.at[idx_v.at[pl.ds(j * SUB, SUB)]],
                gbuf.at[pl.ds(j * SUB, SUB)],
                sem,
            )
            for j in range(NSUB)
        ]
        for cp in copies:
            cp.wait()

        def add_l(l, _):
            p0 = pos_v[l, pl.ds(0, LANES)]
            p1 = pos_v[l, pl.ds(LANES, LANES)]
            for t in range(RPC):
                r2 = t * L + l
                dest_v[pl.ds(r2 * D, LANES)] = gbuf[r2, pl.ds(0, LANES)] + p0
                dest_v[pl.ds(r2 * D + LANES, LANES)] = (
                    gbuf[r2, pl.ds(LANES, LANES)] + p1)
            return 0

        lax.fori_loop(0, L, add_l, 0)
        pltpu.sync_copy(dest_v, out_hbm.at[pl.ds(base * D, CHUNK * D)])
        return 0

    lax.fori_loop(0, NCH, chunk_body, 0)


_mesh = plsc.VectorSubcoreMesh(core_axis_name="c", subcore_axis_name="s")

_flatten = pl.kernel(
    _flatten_body,
    out_type=jax.ShapeDtypeStruct((N,), jnp.int32),
    mesh=_mesh,
    scratch_types=[
        pltpu.VMEM((BPW, L), jnp.int32),
        pltpu.VMEM((PER_W,), jnp.int32),
        pltpu.SemaphoreType.DMA,
    ],
)

_gather = pl.kernel(
    _gather_body,
    out_type=jax.ShapeDtypeStruct((N * D,), jnp.float32),
    mesh=_mesh,
    scratch_types=[
        pltpu.VMEM((CHUNK,), jnp.int32),
        pltpu.VMEM((CHUNK, D), jnp.float32),
        pltpu.VMEM((CHUNK * D,), jnp.float32),
        pltpu.VMEM((L, D), jnp.float32),
        pltpu.SemaphoreType.DMA,
    ],
    compiler_params=pltpu.CompilerParams(use_tc_tiling_on_sc=False),
)


@jax.jit
def _run(x, table, pos):
    xf = _flatten(x)
    out = _gather(xf, table, pos)
    return out.reshape(B, L, D)


def kernel(x, table, pos):
    return _run(x, table, pos)

# --- scband reference (transcript-rebuilt; emitter-appended) ---
"""Pipeline reference for scband-text-embedding-25228637896806 (READ-ONLY COPY).

The authoritative reference and input builder live on the scoring server;
editing this copy changes nothing except your own understanding.
"""

import jax, jax.numpy as jnp
import numpy as np

N_VOCAB = 1000000
EMBED_DIM = 32
MAX_LEN = 200
BATCH = 4096

def setup_inputs(seed: int = 0) -> dict:
    key = jax.random.key(seed)
    k1, k2, k3 = jax.random.split(key, 3)
    x = jax.random.randint(k1, (BATCH, MAX_LEN), 0, N_VOCAB, dtype=jnp.int64) if jax.config.jax_enable_x64 else jax.random.randint(k1, (BATCH, MAX_LEN), 0, N_VOCAB, dtype=jnp.int32)
    table = jax.random.normal(k2, (N_VOCAB, EMBED_DIM), dtype=jnp.float32) * 0.02
    pos = jax.random.normal(k3, (MAX_LEN, EMBED_DIM), dtype=jnp.float32) * 0.02
    return {"x": x, "table": table, "pos": pos}

def reference(x, table, pos):
    # nn.Embedding lookup -> gather rows of the table
    emb = jnp.take(table, x, axis=0)  # [B, L, D]
    # add positional encoding, broadcasting [L, D] over batch
    out = emb + pos[None, :, :]
    return out

if __name__ == "__main__":
    import jax
    _d = setup_inputs()
    print(jax.jit(kernel)(*tuple(_d.values())))

</pallas_src>

<mosaic_0001>
#map = affine_map<(d0, d1) -> (0, 0)>
#map1 = affine_map<(d0, d1) -> (0)>
module attributes {stable_mosaic.version = 14 : i64} {
  func.func @_flatten_body(%arg0: i32, %arg1: i32, %arg2: memref<4096x200xi32, #tpu.memory_space<hbm>>, %arg3: memref<819200xi32, #tpu.memory_space<hbm>>, %arg4: memref<128x200xi32, #tpu.memory_space<vmem>>, %arg5: memref<25600xi32, #tpu.memory_space<vmem>>, %arg6: memref<!tpu.dma_semaphore, #tpu.memory_space<semaphore_mem>>) attributes {dimension_semantics = [#tpu.dimension_semantics<core_parallel>, #tpu.dimension_semantics<subcore_parallel>], iteration_bounds = array<i64: 2, 16>, scalar_prefetch = 0 : i64, scratch_operands = 3 : i64, tpu.core_type = #tpu.core_type<sc_vector_subcore>, window_params = [{transform_indices = #map}, {transform_indices = #map1}]} {
    %mul3A = arith.constant 2 : i32
    %mul3A_0 = arith.muli %arg1, %mul3A : i32
    %add3A = arith.addi %mul3A_0, %arg0 : i32
    %mul3A_1 = arith.constant 128 : i32
    %mul3A_2 = arith.muli %add3A, %mul3A_1 : i32
    %multiple_of3A = tpu.assume_multiple %mul3A_2, 128 : i32
    "tpu.region"() ({
      %run_scoped3A = tpu.sem_alloc : memref<!tpu.dma_semaphore, #tpu.memory_space<semaphore_mem>>
      %dma_start3A = arith.constant 0 : i32
      %dma_start3A_11 = tpu.memref_slice %arg2[%multiple_of3A, %dma_start3A] : memref<4096x200xi32, #tpu.memory_space<hbm>> -> memref<128x200xi32, #tpu.memory_space<hbm>>
      %dma_start3A_12 = arith.constant 0 : i32
      %dma_start3A_13 = tpu.memref_slice %arg2[%multiple_of3A, %dma_start3A_12] : memref<4096x200xi32, #tpu.memory_space<hbm>> -> memref<128x200xi32, #tpu.memory_space<hbm>>
      tpu.enqueue_dma source(%dma_start3A_13 : memref<128x200xi32, #tpu.memory_space<hbm>>) target(%arg4 : memref<128x200xi32, #tpu.memory_space<vmem>>) target_semaphore(%run_scoped3A : memref<!tpu.dma_semaphore, #tpu.memory_space<semaphore_mem>>)
      %dma_wait3A = arith.constant 0 : i32
      %dma_wait3A_14 = tpu.memref_slice %arg2[%multiple_of3A, %dma_wait3A] : memref<4096x200xi32, #tpu.memory_space<hbm>> -> memref<128x200xi32, #tpu.memory_space<hbm>>
      %dma_wait3A_15 = arith.constant 0 : i32
      %dma_wait3A_16 = tpu.memref_slice %arg2[%multiple_of3A, %dma_wait3A_15] : memref<4096x200xi32, #tpu.memory_space<hbm>> -> memref<128x200xi32, #tpu.memory_space<hbm>>
      tpu.wait_dma2 semaphore(%run_scoped3A : memref<!tpu.dma_semaphore, #tpu.memory_space<semaphore_mem>>) src(%dma_wait3A_16 : memref<128x200xi32, #tpu.memory_space<hbm>>) dst(%arg4 : memref<128x200xi32, #tpu.memory_space<vmem>>)
      tpu.yield
    }) : () -> ()
    %scan3A = arith.constant 0 : i32
    %scan3A_3 = arith.constant 0 : i32
    %scan3A_4 = arith.constant 128 : i32
    %scan3A_5 = arith.addi %scan3A_3, %scan3A_4 : i32
    %scan3A_6 = arith.constant 1 : i32
    %scan3A_7 = scf.for %scan3A_11 = %scan3A_3 to %scan3A_5 step %scan3A_6 iter_args(%scan3A_12 = %scan3A) -> (i32)  : i32 {
      %get3A = arith.index_cast %scan3A_11 : i32 to index
      %get3A_13 = arith.constant 0 : index
      %get3A_14 = tpu.vector_load %arg4[%get3A, %get3A_13] {strides = array<i32>} : memref<128x200xi32, #tpu.memory_space<vmem>>, vector<1x16xi32>,
      %get3A_15 = vector.shape_cast %get3A_14 : vector<1x16xi32> to vector<16xi32>
      %mul3A_16 = arith.constant 200 : i32
      %mul3A_17 = arith.muli %scan3A_11, %mul3A_16 : i32
      %add3A_18 = arith.constant 0 : i32
      %add3A_19 = arith.addi %mul3A_17, %add3A_18 : i32
      %swap3A = arith.index_cast %add3A_19 : i32 to index
      %swap3A_20 = tpu.vector_load %arg5[%swap3A] {strides = array<i32>} : memref<25600xi32, #tpu.memory_space<vmem>>, vector<16xi32>,
      %swap3A_21 = vector.shape_cast %swap3A_20 : vector<16xi32> to vector<16xi32>
      %swap3A_22 = vector.shape_cast %get3A_15 : vector<16xi32> to vector<16xi32>
      tpu.vector_store %arg5[%swap3A], %swap3A_22 {strides = array<i32>} : memref<25600xi32, #tpu.memory_space<vmem>>, vector<16xi32>,
      %get3A_23 = arith.index_cast %scan3A_11 : i32 to index
      %get3A_24 = arith.constant 16 : index
      %get3A_25 = tpu.vector_load %arg4[%get3A_23, %get3A_24] {strides = array<i32>} : memref<128x200xi32, #tpu.memory_space<vmem>>, vector<1x16xi32>,
      %get3A_26 = vector.shape_cast %get3A_25 : vector<1x16xi32> to vector<16xi32>
      %mul3A_27 = arith.constant 200 : i32
      %mul3A_28 = arith.muli %scan3A_11, %mul3A_27 : i32
      %add3A_29 = arith.constant 16 : i32
      %add3A_30 = arith.addi %mul3A_28, %add3A_29 : i32
      %swap3A_31 = arith.index_cast %add3A_30 : i32 to index
      %swap3A_32 = tpu.vector_load %arg5[%swap3A_31] {strides = array<i32>} : memref<25600xi32, #tpu.memory_space<vmem>>, vector<16xi32>,
      %swap3A_33 = vector.shape_cast %swap3A_32 : vector<16xi32> to vector<16xi32>
      %swap3A_34 = vector.shape_cast %get3A_26 : vector<16xi32> to vector<16xi32>
      tpu.vector_store %arg5[%swap3A_31], %swap3A_34 {strides = array<i32>} : memref<25600xi32, #tpu.memory_space<vmem>>, vector<16xi32>,
      %get3A_35 = arith.index_cast %scan3A_11 : i32 to index
      %get3A_36 = arith.constant 32 : index
      %get3A_37 = tpu.vector_load %arg4[%get3A_35, %get3A_36] {strides = array<i32>} : memref<128x200xi32, #tpu.memory_space<vmem>>, vector<1x16xi32>,
      %get3A_38 = vector.shape_cast %get3A_37 : vector<1x16xi32> to vector<16xi32>
      %mul3A_39 = arith.constant 200 : i32
      %mul3A_40 = arith.muli %scan3A_11, %mul3A_39 : i32
      %add3A_41 = arith.constant 32 : i32
      %add3A_42 = arith.addi %mul3A_40, %add3A_41 : i32
      %swap3A_43 = arith.index_cast %add3A_42 : i32 to index
      %swap3A_44 = tpu.vector_load %arg5[%swap3A_43] {strides = array<i32>} : memref<25600xi32, #tpu.memory_space<vmem>>, vector<16xi32>,
      %swap3A_45 = vector.shape_cast %swap3A_44 : vector<16xi32> to vector<16xi32>
      %swap3A_46 = vector.shape_cast %get3A_38 : vector<16xi32> to vector<16xi32>
      tpu.vector_store %arg5[%swap3A_43], %swap3A_46 {strides = array<i32>} : memref<25600xi32, #tpu.memory_space<vmem>>, vector<16xi32>,
      %get3A_47 = arith.index_cast %scan3A_11 : i32 to index
      %get3A_48 = arith.constant 48 : index
      %get3A_49 = tpu.vector_load %arg4[%get3A_47, %get3A_48] {strides = array<i32>} : memref<128x200xi32, #tpu.memory_space<vmem>>, vector<1x16xi32>,
      %get3A_50 = vector.shape_cast %get3A_49 : vector<1x16xi32> to vector<16xi32>
      %mul3A_51 = arith.constant 200 : i32
      %mul3A_52 = arith.muli %scan3A_11, %mul3A_51 : i32
      %add3A_53 = arith.constant 48 : i32
      %add3A_54 = arith.addi %mul3A_52, %add3A_53 : i32
      %swap3A_55 = arith.index_cast %add3A_54 : i32 to index
      %swap3A_56 = tpu.vector_load %arg5[%swap3A_55] {strides = array<i32>} : memref<25600xi32, #tpu.memory_space<vmem>>, vector<16xi32>,
      %swap3A_57 = vector.shape_cast %swap3A_56 : vector<16xi32> to vector<16xi32>
      %swap3A_58 = vector.shape_cast %get3A_50 : vector<16xi32> to vector<16xi32>
      tpu.vector_store %arg5[%swap3A_55], %swap3A_58 {strides = array<i32>} : memref<25600xi32, #tpu.memory_space<vmem>>, vector<16xi32>,
      %get3A_59 = arith.index_cast %scan3A_11 : i32 to index
      %get3A_60 = arith.constant 64 : index
      %get3A_61 = tpu.vector_load %arg4[%get3A_59, %get3A_60] {strides = array<i32>} : memref<128x200xi32, #tpu.memory_space<vmem>>, vector<1x16xi32>,
      %get3A_62 = vector.shape_cast %get3A_61 : vector<1x16xi32> to vector<16xi32>
      %mul3A_63 = arith.constant 200 : i32
      %mul3A_64 = arith.muli %scan3A_11, %mul3A_63 : i32
      %add3A_65 = arith.constant 64 : i32
      %add3A_66 = arith.addi %mul3A_64, %add3A_65 : i32
      %swap3A_67 = arith.index_cast %add3A_66 : i32 to index
      %swap3A_68 = tpu.vector_load %arg5[%swap3A_67] {strides = array<i32>} : memref<25600xi32, #tpu.memory_space<vmem>>, vector<16xi32>,
      %swap3A_69 = vector.shape_cast %swap3A_68 : vector<16xi32> to vector<16xi32>
      %swap3A_70 = vector.shape_cast %get3A_62 : vector<16xi32> to vector<16xi32>
      tpu.vector_store %arg5[%swap3A_67], %swap3A_70 {strides = array<i32>} : memref<25600xi32, #tpu.memory_space<vmem>>, vector<16xi32>,
      %get3A_71 = arith.index_cast %scan3A_11 : i32 to index
      %get3A_72 = arith.constant 80 : index
      %get3A_73 = tpu.vector_load %arg4[%get3A_71, %get3A_72] {strides = array<i32>} : memref<128x200xi32, #tpu.memory_space<vmem>>, vector<1x16xi32>,
      %get3A_74 = vector.shape_cast %get3A_73 : vector<1x16xi32> to vector<16xi32>
      %mul3A_75 = arith.constant 200 : i32
      %mul3A_76 = arith.muli %scan3A_11, %mul3A_75 : i32
      %add3A_77 = arith.constant 80 : i32
      %add3A_78 = arith.addi %mul3A_76, %add3A_77 : i32
      %swap3A_79 = arith.index_cast %add3A_78 : i32 to index
      %swap3A_80 = tpu.vector_load %arg5[%swap3A_79] {strides = array<i32>} : memref<25600xi32, #tpu.memory_space<vmem>>, vector<16xi32>,
      %swap3A_81 = vector.shape_cast %swap3A_80 : vector<16xi32> to vector<16xi32>
      %swap3A_82 = vector.shape_cast %get3A_74 : vector<16xi32> to vector<16xi32>
      tpu.vector_store %arg5[%swap3A_79], %swap3A_82 {strides = array<i32>} : memref<25600xi32, #tpu.memory_space<vmem>>, vector<16xi32>,
      %get3A_83 = arith.index_cast %scan3A_11 : i32 to index
      %get3A_84 = arith.constant 96 : index
      %get3A_85 = tpu.vector_load %arg4[%get3A_83, %get3A_84] {strides = array<i32>} : memref<128x200xi32, #tpu.memory_space<vmem>>, vector<1x16xi32>,
      %get3A_86 = vector.shape_cast %get3A_85 : vector<1x16xi32> to vector<16xi32>
      %mul3A_87 = arith.constant 200 : i32
      %mul3A_88 = arith.muli %scan3A_11, %mul3A_87 : i32
      %add3A_89 = arith.constant 96 : i32
      %add3A_90 = arith.addi %mul3A_88, %add3A_89 : i32
      %swap3A_91 = arith.index_cast %add3A_90 : i32 to index
      %swap3A_92 = tpu.vector_load %arg5[%swap3A_91] {strides = array<i32>} : memref<25600xi32, #tpu.memory_space<vmem>>, vector<16xi32>,
      %swap3A_93 = vector.shape_cast %swap3A_92 : vector<16xi32> to vector<16xi32>
      %swap3A_94 = vector.shape_cast %get3A_86 : vector<16xi32> to vector<16xi32>
      tpu.vector_store %arg5[%swap3A_91], %swap3A_94 {strides = array<i32>} : memref<25600xi32, #tpu.memory_space<vmem>>, vector<16xi32>,
      %get3A_95 = arith.index_cast %scan3A_11 : i32 to index
      %get3A_96 = arith.constant 112 : index
      %get3A_97 = tpu.vector_load %arg4[%get3A_95, %get3A_96] {strides = array<i32>} : memref<128x200xi32, #tpu.memory_space<vmem>>, vector<1x16xi32>,
      %get3A_98 = vector.shape_cast %get3A_97 : vector<1x16xi32> to vector<16xi32>
      %mul3A_99 = arith.constant 200 : i32
      %mul3A_100 = arith.muli %scan3A_11, %mul3A_99 : i32
      %add3A_101 = arith.constant 112 : i32
      %add3A_102 = arith.addi %mul3A_100, %add3A_101 : i32
      %swap3A_103 = arith.index_cast %add3A_102 : i32 to index
      %swap3A_104 = tpu.vector_load %arg5[%swap3A_103] {strides = array<i32>} : memref<25600xi32, #tpu.memory_space<vmem>>, vector<16xi32>,
      %swap3A_105 = vector.shape_cast %swap3A_104 : vector<16xi32> to vector<16xi32>
      %swap3A_106 = vector.shape_cast %get3A_98 : vector<16xi32> to vector<16xi32>
      tpu.vector_store %arg5[%swap3A_103], %swap3A_106 {strides = array<i32>} : memref<25600xi32, #tpu.memory_space<vmem>>, vector<16xi32>,
      %get3A_107 = arith.index_cast %scan3A_11 : i32 to index
      %get3A_108 = arith.constant 128 : index
      %get3A_109 = tpu.vector_load %arg4[%get3A_107, %get3A_108] {strides = array<i32>} : memref<128x200xi32, #tpu.memory_space<vmem>>, vector<1x16xi32>,
      %get3A_110 = vector.shape_cast %get3A_109 : vector<1x16xi32> to vector<16xi32>
      %mul3A_111 = arith.constant 200 : i32
      %mul3A_112 = arith.muli %scan3A_11, %mul3A_111 : i32
      %add3A_113 = arith.constant 128 : i32
      %add3A_114 = arith.addi %mul3A_112, %add3A_113 : i32
      %swap3A_115 = arith.index_cast %add3A_114 : i32 to index
      %swap3A_116 = tpu.vector_load %arg5[%swap3A_115] {strides = array<i32>} : memref<25600xi32, #tpu.memory_space<vmem>>, vector<16xi32>,
      %swap3A_117 = vector.shape_cast %swap3A_116 : vector<16xi32> to vector<16xi32>
      %swap3A_118 = vector.shape_cast %get3A_110 : vector<16xi32> to vector<16xi32>
      tpu.vector_store %arg5[%swap3A_115], %swap3A_118 {strides = array<i32>} : memref<25600xi32, #tpu.memory_space<vmem>>, vector<16xi32>,
      %get3A_119 = arith.index_cast %scan3A_11 : i32 to index
      %get3A_120 = arith.constant 144 : index
      %get3A_121 = tpu.vector_load %arg4[%get3A_119, %get3A_120] {strides = array<i32>} : memref<128x200xi32, #tpu.memory_space<vmem>>, vector<1x16xi32>,
      %get3A_122 = vector.shape_cast %get3A_121 : vector<1x16xi32> to vector<16xi32>
      %mul3A_123 = arith.constant 200 : i32
      %mul3A_124 = arith.muli %scan3A_11, %mul3A_123 : i32
      %add3A_125 = arith.constant 144 : i32
      %add3A_126 = arith.addi %mul3A_124, %add3A_125 : i32
      %swap3A_127 = arith.index_cast %add3A_126 : i32 to index
      %swap3A_128 = tpu.vector_load %arg5[%swap3A_127] {strides = array<i32>} : memref<25600xi32, #tpu.memory_space<vmem>>, vector<16xi32>,
      %swap3A_129 = vector.shape_cast %swap3A_128 : vector<16xi32> to vector<16xi32>
      %swap3A_130 = vector.shape_cast %get3A_122 : vector<16xi32> to vector<16xi32>
      tpu.vector_store %arg5[%swap3A_127], %swap3A_130 {strides = array<i32>} : memref<25600xi32, #tpu.memory_space<vmem>>, vector<16xi32>,
      %get3A_131 = arith.index_cast %scan3A_11 : i32 to index
      %get3A_132 = arith.constant 160 : index
      %get3A_133 = tpu.vector_load %arg4[%get3A_131, %get3A_132] {strides = array<i32>} : memref<128x200xi32, #tpu.memory_space<vmem>>, vector<1x16xi32>,
      %get3A_134 = vector.shape_cast %get3A_133 : vector<1x16xi32> to vector<16xi32>
      %mul3A_135 = arith.constant 200 : i32
      %mul3A_136 = arith.muli %scan3A_11, %mul3A_135 : i32
      %add3A_137 = arith.constant 160 : i32
      %add3A_138 = arith.addi %mul3A_136, %add3A_137 : i32
      %swap3A_139 = arith.index_cast %add3A_138 : i32 to index
      %swap3A_140 = tpu.vector_load %arg5[%swap3A_139] {strides = array<i32>} : memref<25600xi32, #tpu.memory_space<vmem>>, vector<16xi32>,
      %swap3A_141 = vector.shape_cast %swap3A_140 : vector<16xi32> to vector<16xi32>
      %swap3A_142 = vector.shape_cast %get3A_134 : vector<16xi32> to vector<16xi32>
      tpu.vector_store %arg5[%swap3A_139], %swap3A_142 {strides = array<i32>} : memref<25600xi32, #tpu.memory_space<vmem>>, vector<16xi32>,
      %get3A_143 = arith.index_cast %scan3A_11 : i32 to index
      %get3A_144 = arith.constant 176 : index
      %get3A_145 = tpu.vector_load %arg4[%get3A_143, %get3A_144] {strides = array<i32>} : memref<128x200xi32, #tpu.memory_space<vmem>>, vector<1x16xi32>,
      %get3A_146 = vector.shape_cast %get3A_145 : vector<1x16xi32> to vector<16xi32>
      %mul3A_147 = arith.constant 200 : i32
      %mul3A_148 = arith.muli %scan3A_11, %mul3A_147 : i32
      %add3A_149 = arith.constant 176 : i32
      %add3A_150 = arith.addi %mul3A_148, %add3A_149 : i32
      %swap3A_151 = arith.index_cast %add3A_150 : i32 to index
      %swap3A_152 = tpu.vector_load %arg5[%swap3A_151] {strides = array<i32>} : memref<25600xi32, #tpu.memory_space<vmem>>, vector<16xi32>,
      %swap3A_153 = vector.shape_cast %swap3A_152 : vector<16xi32> to vector<16xi32>
      %swap3A_154 = vector.shape_cast %get3A_146 : vector<16xi32> to vector<16xi32>
      tpu.vector_store %arg5[%swap3A_151], %swap3A_154 {strides = array<i32>} : memref<25600xi32, #tpu.memory_space<vmem>>, vector<16xi32>,
      %get3A_155 = arith.index_cast %scan3A_11 : i32 to index
      %get3A_156 = arith.constant 184 : index
      %get3A_157 = tpu.vector_load %arg4[%get3A_155, %get3A_156] {strides = array<i32>} : memref<128x200xi32, #tpu.memory_space<vmem>>, vector<1x16xi32>,
      %get3A_158 = vector.shape_cast %get3A_157 : vector<1x16xi32> to vector<16xi32>
      %mul3A_159 = arith.constant 200 : i32
      %mul3A_160 = arith.muli %scan3A_11, %mul3A_159 : i32
      %add3A_161 = arith.constant 184 : i32
      %add3A_162 = arith.addi %mul3A_160, %add3A_161 : i32
      %swap3A_163 = arith.index_cast %add3A_162 : i32 to index
      %swap3A_164 = tpu.vector_load %arg5[%swap3A_163] {strides = array<i32>} : memref<25600xi32, #tpu.memory_space<vmem>>, vector<16xi32>,
      %swap3A_165 = vector.shape_cast %swap3A_164 : vector<16xi32> to vector<16xi32>
      %swap3A_166 = vector.shape_cast %get3A_158 : vector<16xi32> to vector<16xi32>
      tpu.vector_store %arg5[%swap3A_163], %swap3A_166 {strides = array<i32>} : memref<25600xi32, #tpu.memory_space<vmem>>, vector<16xi32>,
      %scan3A_167 = arith.constant 0 : i32
      scf.yield %scan3A_167 : i32
    }
    %scan3A_8 = arith.constant 128 : i32
    %mul3A_9 = arith.constant 25600 : i32
    %mul3A_10 = arith.muli %add3A, %mul3A_9 : i32
    "tpu.region"() ({
      %run_scoped3A = tpu.sem_alloc : memref<!tpu.dma_semaphore, #tpu.memory_space<semaphore_mem>>
      %dma_start3A = tpu.memref_slice %arg3[%mul3A_10] : memref<819200xi32, #tpu.memory_space<hbm>> -> memref<25600xi32, #tpu.memory_space<hbm>>
      %dma_start3A_11 = tpu.memref_slice %arg3[%mul3A_10] : memref<819200xi32, #tpu.memory_space<hbm>> -> memref<25600xi32, #tpu.memory_space<hbm>>
      tpu.enqueue_dma source(%arg5 : memref<25600xi32, #tpu.memory_space<vmem>>) target(%dma_start3A_11 : memref<25600xi32, #tpu.memory_space<hbm>>) target_semaphore(%run_scoped3A : memref<!tpu.dma_semaphore, #tpu.memory_space<semaphore_mem>>)
      %dma_wait3A = tpu.memref_slice %arg3[%mul3A_10] : memref<819200xi32, #tpu.memory_space<hbm>> -> memref<25600xi32, #tpu.memory_space<hbm>>
      %dma_wait3A_12 = tpu.memref_slice %arg3[%mul3A_10] : memref<819200xi32, #tpu.memory_space<hbm>> -> memref<25600xi32, #tpu.memory_space<hbm>>
      tpu.wait_dma2 semaphore(%run_scoped3A : memref<!tpu.dma_semaphore, #tpu.memory_space<semaphore_mem>>) src(%arg5 : memref<25600xi32, #tpu.memory_space<vmem>>) dst(%dma_wait3A_12 : memref<25600xi32, #tpu.memory_space<hbm>>)
      tpu.yield
    }) : () -> ()
    return
  }
}

#map = affine_map<(d0, d1) -> (0)>
#map1 = affine_map<(d0, d1) -> (0, 0)>
module attributes {stable_mosaic.version = 14 : i64} {
  func.func @_gather_body(%arg0: i32, %arg1: i32, %arg2: memref<819200xi32, #tpu.memory_space<hbm>>, %arg3: memref<1000000x32xf32, #tpu.memory_space<hbm>>, %arg4: memref<200x32xf32, #tpu.memory_space<hbm>>, %arg5: memref<26214400xf32, #tpu.memory_space<hbm>>, %arg6: memref<1600xi32, #tpu.memory_space<vmem>>, %arg7: memref<1600x32xf32, #tpu.memory_space<vmem>>, %arg8: memref<51200xf32, #tpu.memory_space<vmem>>, %arg9: memref<200x32xf32, #tpu.memory_space<vmem>>, %arg10: memref<!tpu.dma_semaphore, #tpu.memory_space<semaphore_mem>>) attributes {dimension_semantics = [#tpu.dimension_semantics<core_parallel>, #tpu.dimension_semantics<subcore_parallel>], iteration_bounds = array<i64: 2, 16>, scalar_prefetch = 0 : i64, scratch_operands = 5 : i64, tpu.core_type = #tpu.core_type<sc_vector_subcore>, window_params = [{transform_indices = #map}, {transform_indices = #map1}, {transform_indices = #map1}, {transform_indices = #map}]} {
    %mul3A = arith.constant 2 : i32
    %mul3A_0 = arith.muli %arg1, %mul3A : i32
    %add3A = arith.addi %mul3A_0, %arg0 : i32
    %mul3A_1 = arith.constant 25600 : i32
    %mul3A_2 = arith.muli %add3A, %mul3A_1 : i32
    %multiple_of3A = tpu.assume_multiple %mul3A_2, 25600 : i32
    "tpu.region"() ({
      %run_scoped3A = tpu.sem_alloc : memref<!tpu.dma_semaphore, #tpu.memory_space<semaphore_mem>>
      tpu.enqueue_dma source(%arg4 : memref<200x32xf32, #tpu.memory_space<hbm>>) target(%arg9 : memref<200x32xf32, #tpu.memory_space<vmem>>) target_semaphore(%run_scoped3A : memref<!tpu.dma_semaphore, #tpu.memory_space<semaphore_mem>>)
      tpu.wait_dma2 semaphore(%run_scoped3A : memref<!tpu.dma_semaphore, #tpu.memory_space<semaphore_mem>>) src(%arg4 : memref<200x32xf32, #tpu.memory_space<hbm>>) dst(%arg9 : memref<200x32xf32, #tpu.memory_space<vmem>>)
      tpu.yield
    }) : () -> ()
    %scan3A = arith.constant 0 : i32
    %scan3A_3 = arith.constant 0 : i32
    %scan3A_4 = arith.constant 16 : i32
    %scan3A_5 = arith.addi %scan3A_3, %scan3A_4 : i32
    %scan3A_6 = arith.constant 1 : i32
    %scan3A_7 = scf.for %scan3A_9 = %scan3A_3 to %scan3A_5 step %scan3A_6 iter_args(%scan3A_10 = %scan3A) -> (i32)  : i32 {
      %mul3A_11 = arith.constant 1600 : i32
      %mul3A_12 = arith.muli %scan3A_9, %mul3A_11 : i32
      %add3A_13 = arith.addi %multiple_of3A, %mul3A_12 : i32
      %multiple_of3A_14 = tpu.assume_multiple %add3A_13, 1600 : i32
      "tpu.region"() ({
        %run_scoped3A = tpu.sem_alloc : memref<!tpu.dma_semaphore, #tpu.memory_space<semaphore_mem>>
        %dma_start3A_343 = tpu.memref_slice %arg2[%multiple_of3A_14] : memref<819200xi32, #tpu.memory_space<hbm>> -> memref<1600xi32, #tpu.memory_space<hbm>>
        %dma_start3A_344 = tpu.memref_slice %arg2[%multiple_of3A_14] : memref<819200xi32, #tpu.memory_space<hbm>> -> memref<1600xi32, #tpu.memory_space<hbm>>
        tpu.enqueue_dma source(%dma_start3A_344 : memref<1600xi32, #tpu.memory_space<hbm>>) target(%arg6 : memref<1600xi32, #tpu.memory_space<vmem>>) target_semaphore(%run_scoped3A : memref<!tpu.dma_semaphore, #tpu.memory_space<semaphore_mem>>)
        %dma_wait3A_345 = tpu.memref_slice %arg2[%multiple_of3A_14] : memref<819200xi32, #tpu.memory_space<hbm>> -> memref<1600xi32, #tpu.memory_space<hbm>>
        %dma_wait3A_346 = tpu.memref_slice %arg2[%multiple_of3A_14] : memref<819200xi32, #tpu.memory_space<hbm>> -> memref<1600xi32, #tpu.memory_space<hbm>>
        tpu.wait_dma2 semaphore(%run_scoped3A : memref<!tpu.dma_semaphore, #tpu.memory_space<semaphore_mem>>) src(%dma_wait3A_346 : memref<1600xi32, #tpu.memory_space<hbm>>) dst(%arg6 : memref<1600xi32, #tpu.memory_space<vmem>>)
        tpu.yield
      }) : () -> ()
      %dma_start3A = arith.constant 0 : i32
      %dma_start3A_15 = arith.constant 0 : i32
      %dma_start3A_16 = tpu.memref_slice %arg7[%dma_start3A, %dma_start3A_15] : memref<1600x32xf32, #tpu.memory_space<vmem>> -> memref<80x32xf32, #tpu.memory_space<vmem>>
      %dma_start3A_17 = arith.constant 0 : i32
      %dma_start3A_18 = tpu.memref_slice %arg6[%dma_start3A_17] : memref<1600xi32, #tpu.memory_space<vmem>> -> memref<80xi32, #tpu.memory_space<vmem>>
      %dma_start3A_19 = arith.constant 0 : i32
      %dma_start3A_20 = arith.constant 0 : i32
      %dma_start3A_21 = tpu.memref_slice %arg3[%dma_start3A_19, %dma_start3A_20] : memref<1000000x32xf32, #tpu.memory_space<hbm>> -> memref<1000000x32xf32, #tpu.memory_space<hbm>>
      tpu.enqueue_indirect_dma source(%dma_start3A_21 : memref<1000000x32xf32, #tpu.memory_space<hbm>>) target(%dma_start3A_16 : memref<80x32xf32, #tpu.memory_space<vmem>>) offsets(%dma_start3A_18 : memref<80xi32, #tpu.memory_space<vmem>>) semaphore(%arg10 : memref<!tpu.dma_semaphore, #tpu.memory_space<semaphore_mem>>)
      %dma_start3A_22 = arith.constant 80 : i32
      %dma_start3A_23 = arith.constant 0 : i32
      %dma_start3A_24 = tpu.memref_slice %arg7[%dma_start3A_22, %dma_start3A_23] : memref<1600x32xf32, #tpu.memory_space<vmem>> -> memref<80x32xf32, #tpu.memory_space<vmem>>
      %dma_start3A_25 = arith.constant 80 : i32
      %dma_start3A_26 = tpu.memref_slice %arg6[%dma_start3A_25] : memref<1600xi32, #tpu.memory_space<vmem>> -> memref<80xi32, #tpu.memory_space<vmem>>
      %dma_start3A_27 = arith.constant 0 : i32
      %dma_start3A_28 = arith.constant 0 : i32
      %dma_start3A_29 = tpu.memref_slice %arg3[%dma_start3A_27, %dma_start3A_28] : memref<1000000x32xf32, #tpu.memory_space<hbm>> -> memref<1000000x32xf32, #tpu.memory_space<hbm>>
      tpu.enqueue_indirect_dma source(%dma_start3A_29 : memref<1000000x32xf32, #tpu.memory_space<hbm>>) target(%dma_start3A_24 : memref<80x32xf32, #tpu.memory_space<vmem>>) offsets(%dma_start3A_26 : memref<80xi32, #tpu.memory_space<vmem>>) semaphore(%arg10 : memref<!tpu.dma_semaphore, #tpu.memory_space<semaphore_mem>>)
      %dma_start3A_30 = arith.constant 160 : i32
      %dma_start3A_31 = arith.constant 0 : i32
      %dma_start3A_32 = tpu.memref_slice %arg7[%dma_start3A_30, %dma_start3A_31] : memref<1600x32xf32, #tpu.memory_space<vmem>> -> memref<80x32xf32, #tpu.memory_space<vmem>>
      %dma_start3A_33 = arith.constant 160 : i32
      %dma_start3A_34 = tpu.memref_slice %arg6[%dma_start3A_33] : memref<1600xi32, #tpu.memory_space<vmem>> -> memref<80xi32, #tpu.memory_space<vmem>>
      %dma_start3A_35 = arith.constant 0 : i32
      %dma_start3A_36 = arith.constant 0 : i32
      %dma_start3A_37 = tpu.memref_slice %arg3[%dma_start3A_35, %dma_start3A_36] : memref<1000000x32xf32, #tpu.memory_space<hbm>> -> memref<1000000x32xf32, #tpu.memory_space<hbm>>
      tpu.enqueue_indirect_dma source(%dma_start3A_37 : memref<1000000x32xf32, #tpu.memory_space<hbm>>) target(%dma_start3A_32 : memref<80x32xf32, #tpu.memory_space<vmem>>) offsets(%dma_start3A_34 : memref<80xi32, #tpu.memory_space<vmem>>) semaphore(%arg10 : memref<!tpu.dma_semaphore, #tpu.memory_space<semaphore_mem>>)
      %dma_start3A_38 = arith.constant 240 : i32
      %dma_start3A_39 = arith.constant 0 : i32
      %dma_start3A_40 = tpu.memref_slice %arg7[%dma_start3A_38, %dma_start3A_39] : memref<1600x32xf32, #tpu.memory_space<vmem>> -> memref<80x32xf32, #tpu.memory_space<vmem>>
      %dma_start3A_41 = arith.constant 240 : i32
      %dma_start3A_42 = tpu.memref_slice %arg6[%dma_start3A_41] : memref<1600xi32, #tpu.memory_space<vmem>> -> memref<80xi32, #tpu.memory_space<vmem>>
      %dma_start3A_43 = arith.constant 0 : i32
      %dma_start3A_44 = arith.constant 0 : i32
      %dma_start3A_45 = tpu.memref_slice %arg3[%dma_start3A_43, %dma_start3A_44] : memref<1000000x32xf32, #tpu.memory_space<hbm>> -> memref<1000000x32xf32, #tpu.memory_space<hbm>>
      tpu.enqueue_indirect_dma source(%dma_start3A_45 : memref<1000000x32xf32, #tpu.memory_space<hbm>>) target(%dma_start3A_40 : memref<80x32xf32, #tpu.memory_space<vmem>>) offsets(%dma_start3A_42 : memref<80xi32, #tpu.memory_space<vmem>>) semaphore(%arg10 : memref<!tpu.dma_semaphore, #tpu.memory_space<semaphore_mem>>)
      %dma_start3A_46 = arith.constant 320 : i32
      %dma_start3A_47 = arith.constant 0 : i32
      %dma_start3A_48 = tpu.memref_slice %arg7[%dma_start3A_46, %dma_start3A_47] : memref<1600x32xf32, #tpu.memory_space<vmem>> -> memref<80x32xf32, #tpu.memory_space<vmem>>
      %dma_start3A_49 = arith.constant 320 : i32
      %dma_start3A_50 = tpu.memref_slice %arg6[%dma_start3A_49] : memref<1600xi32, #tpu.memory_space<vmem>> -> memref<80xi32, #tpu.memory_space<vmem>>
      %dma_start3A_51 = arith.constant 0 : i32
      %dma_start3A_52 = arith.constant 0 : i32
      %dma_start3A_53 = tpu.memref_slice %arg3[%dma_start3A_51, %dma_start3A_52] : memref<1000000x32xf32, #tpu.memory_space<hbm>> -> memref<1000000x32xf32, #tpu.memory_space<hbm>>
      tpu.enqueue_indirect_dma source(%dma_start3A_53 : memref<1000000x32xf32, #tpu.memory_space<hbm>>) target(%dma_start3A_48 : memref<80x32xf32, #tpu.memory_space<vmem>>) offsets(%dma_start3A_50 : memref<80xi32, #tpu.memory_space<vmem>>) semaphore(%arg10 : memref<!tpu.dma_semaphore, #tpu.memory_space<semaphore_mem>>)
      %dma_start3A_54 = arith.constant 400 : i32
      %dma_start3A_55 = arith.constant 0 : i32
      %dma_start3A_56 = tpu.memref_slice %arg7[%dma_start3A_54, %dma_start3A_55] : memref<1600x32xf32, #tpu.memory_space<vmem>> -> memref<80x32xf32, #tpu.memory_space<vmem>>
      %dma_start3A_57 = arith.constant 400 : i32
      %dma_start3A_58 = tpu.memref_slice %arg6[%dma_start3A_57] : memref<1600xi32, #tpu.memory_space<vmem>> -> memref<80xi32, #tpu.memory_space<vmem>>
      %dma_start3A_59 = arith.constant 0 : i32
      %dma_start3A_60 = arith.constant 0 : i32
      %dma_start3A_61 = tpu.memref_slice %arg3[%dma_start3A_59, %dma_start3A_60] : memref<1000000x32xf32, #tpu.memory_space<hbm>> -> memref<1000000x32xf32, #tpu.memory_space<hbm>>
      tpu.enqueue_indirect_dma source(%dma_start3A_61 : memref<1000000x32xf32, #tpu.memory_space<hbm>>) target(%dma_start3A_56 : memref<80x32xf32, #tpu.memory_space<vmem>>) offsets(%dma_start3A_58 : memref<80xi32, #tpu.memory_space<vmem>>) semaphore(%arg10 : memref<!tpu.dma_semaphore, #tpu.memory_space<semaphore_mem>>)
      %dma_start3A_62 = arith.constant 480 : i32
      %dma_start3A_63 = arith.constant 0 : i32
      %dma_start3A_64 = tpu.memref_slice %arg7[%dma_start3A_62, %dma_start3A_63] : memref<1600x32xf32, #tpu.memory_space<vmem>> -> memref<80x32xf32, #tpu.memory_space<vmem>>
      %dma_start3A_65 = arith.constant 480 : i32
      %dma_start3A_66 = tpu.memref_slice %arg6[%dma_start3A_65] : memref<1600xi32, #tpu.memory_space<vmem>> -> memref<80xi32, #tpu.memory_space<vmem>>
      %dma_start3A_67 = arith.constant 0 : i32
      %dma_start3A_68 = arith.constant 0 : i32
      %dma_start3A_69 = tpu.memref_slice %arg3[%dma_start3A_67, %dma_start3A_68] : memref<1000000x32xf32, #tpu.memory_space<hbm>> -> memref<1000000x32xf32, #tpu.memory_space<hbm>>
      tpu.enqueue_indirect_dma source(%dma_start3A_69 : memref<1000000x32xf32, #tpu.memory_space<hbm>>) target(%dma_start3A_64 : memref<80x32xf32, #tpu.memory_space<vmem>>) offsets(%dma_start3A_66 : memref<80xi32, #tpu.memory_space<vmem>>) semaphore(%arg10 : memref<!tpu.dma_semaphore, #tpu.memory_space<semaphore_mem>>)
      %dma_start3A_70 = arith.constant 560 : i32
      %dma_start3A_71 = arith.constant 0 : i32
      %dma_start3A_72 = tpu.memref_slice %arg7[%dma_start3A_70, %dma_start3A_71] : memref<1600x32xf32, #tpu.memory_space<vmem>> -> memref<80x32xf32, #tpu.memory_space<vmem>>
      %dma_start3A_73 = arith.constant 560 : i32
      %dma_start3A_74 = tpu.memref_slice %arg6[%dma_start3A_73] : memref<1600xi32, #tpu.memory_space<vmem>> -> memref<80xi32, #tpu.memory_space<vmem>>
      %dma_start3A_75 = arith.constant 0 : i32
      %dma_start3A_76 = arith.constant 0 : i32
      %dma_start3A_77 = tpu.memref_slice %arg3[%dma_start3A_75, %dma_start3A_76] : memref<1000000x32xf32, #tpu.memory_space<hbm>> -> memref<1000000x32xf32, #tpu.memory_space<hbm>>
      tpu.enqueue_indirect_dma source(%dma_start3A_77 : memref<1000000x32xf32, #tpu.memory_space<hbm>>) target(%dma_start3A_72 : memref<80x32xf32, #tpu.memory_space<vmem>>) offsets(%dma_start3A_74 : memref<80xi32, #tpu.memory_space<vmem>>) semaphore(%arg10 : memref<!tpu.dma_semaphore, #tpu.memory_space<semaphore_mem>>)
      %dma_start3A_78 = arith.constant 640 : i32
      %dma_start3A_79 = arith.constant 0 : i32
      %dma_start3A_80 = tpu.memref_slice %arg7[%dma_start3A_78, %dma_start3A_79] : memref<1600x32xf32, #tpu.memory_space<vmem>> -> memref<80x32xf32, #tpu.memory_space<vmem>>
      %dma_start3A_81 = arith.constant 640 : i32
      %dma_start3A_82 = tpu.memref_slice %arg6[%dma_start3A_81] : memref<1600xi32, #tpu.memory_space<vmem>> -> memref<80xi32, #tpu.memory_space<vmem>>
      %dma_start3A_83 = arith.constant 0 : i32
      %dma_start3A_84 = arith.constant 0 : i32
      %dma_start3A_85 = tpu.memref_slice %arg3[%dma_start3A_83, %dma_start3A_84] : memref<1000000x32xf32, #tpu.memory_space<hbm>> -> memref<1000000x32xf32, #tpu.memory_space<hbm>>
      tpu.enqueue_indirect_dma source(%dma_start3A_85 : memref<1000000x32xf32, #tpu.memory_space<hbm>>) target(%dma_start3A_80 : memref<80x32xf32, #tpu.memory_space<vmem>>) offsets(%dma_start3A_82 : memref<80xi32, #tpu.memory_space<vmem>>) semaphore(%arg10 : memref<!tpu.dma_semaphore, #tpu.memory_space<semaphore_mem>>)
      %dma_start3A_86 = arith.constant 720 : i32
      %dma_start3A_87 = arith.constant 0 : i32
      %dma_start3A_88 = tpu.memref_slice %arg7[%dma_start3A_86, %dma_start3A_87] : memref<1600x32xf32, #tpu.memory_space<vmem>> -> memref<80x32xf32, #tpu.memory_space<vmem>>
      %dma_start3A_89 = arith.constant 720 : i32
      %dma_start3A_90 = tpu.memref_slice %arg6[%dma_start3A_89] : memref<1600xi32, #tpu.memory_space<vmem>> -> memref<80xi32, #tpu.memory_space<vmem>>
      %dma_start3A_91 = arith.constant 0 : i32
      %dma_start3A_92 = arith.constant 0 : i32
      %dma_start3A_93 = tpu.memref_slice %arg3[%dma_start3A_91, %dma_start3A_92] : memref<1000000x32xf32, #tpu.memory_space<hbm>> -> memref<1000000x32xf32, #tpu.memory_space<hbm>>
      tpu.enqueue_indirect_dma source(%dma_start3A_93 : memref<1000000x32xf32, #tpu.memory_space<hbm>>) target(%dma_start3A_88 : memref<80x32xf32, #tpu.memory_space<vmem>>) offsets(%dma_start3A_90 : memref<80xi32, #tpu.memory_space<vmem>>) semaphore(%arg10 : memref<!tpu.dma_semaphore, #tpu.memory_space<semaphore_mem>>)
      %dma_start3A_94 = arith.constant 800 : i32
      %dma_start3A_95 = arith.constant 0 : i32
      %dma_start3A_96 = tpu.memref_slice %arg7[%dma_start3A_94, %dma_start3A_95] : memref<1600x32xf32, #tpu.memory_space<vmem>> -> memref<80x32xf32, #tpu.memory_space<vmem>>
      %dma_start3A_97 = arith.constant 800 : i32
      %dma_start3A_98 = tpu.memref_slice %arg6[%dma_start3A_97] : memref<1600xi32, #tpu.memory_space<vmem>> -> memref<80xi32, #tpu.memory_space<vmem>>
      %dma_start3A_99 = arith.constant 0 : i32
      %dma_start3A_100 = arith.constant 0 : i32
      %dma_start3A_101 = tpu.memref_slice %arg3[%dma_start3A_99, %dma_start3A_100] : memref<1000000x32xf32, #tpu.memory_space<hbm>> -> memref<1000000x32xf32, #tpu.memory_space<hbm>>
      tpu.enqueue_indirect_dma source(%dma_start3A_101 : memref<1000000x32xf32, #tpu.memory_space<hbm>>) target(%dma_start3A_96 : memref<80x32xf32, #tpu.memory_space<vmem>>) offsets(%dma_start3A_98 : memref<80xi32, #tpu.memory_space<vmem>>) semaphore(%arg10 : memref<!tpu.dma_semaphore, #tpu.memory_space<semaphore_mem>>)
      %dma_start3A_102 = arith.constant 880 : i32
      %dma_start3A_103 = arith.constant 0 : i32
      %dma_start3A_104 = tpu.memref_slice %arg7[%dma_start3A_102, %dma_start3A_103] : memref<1600x32xf32, #tpu.memory_space<vmem>> -> memref<80x32xf32, #tpu.memory_space<vmem>>
      %dma_start3A_105 = arith.constant 880 : i32
      %dma_start3A_106 = tpu.memref_slice %arg6[%dma_start3A_105] : memref<1600xi32, #tpu.memory_space<vmem>> -> memref<80xi32, #tpu.memory_space<vmem>>
      %dma_start3A_107 = arith.constant 0 : i32
      %dma_start3A_108 = arith.constant 0 : i32
      %dma_start3A_109 = tpu.memref_slice %arg3[%dma_start3A_107, %dma_start3A_108] : memref<1000000x32xf32, #tpu.memory_space<hbm>> -> memref<1000000x32xf32, #tpu.memory_space<hbm>>
      tpu.enqueue_indirect_dma source(%dma_start3A_109 : memref<1000000x32xf32, #tpu.memory_space<hbm>>) target(%dma_start3A_104 : memref<80x32xf32, #tpu.memory_space<vmem>>) offsets(%dma_start3A_106 : memref<80xi32, #tpu.memory_space<vmem>>) semaphore(%arg10 : memref<!tpu.dma_semaphore, #tpu.memory_space<semaphore_mem>>)
      %dma_start3A_110 = arith.constant 960 : i32
      %dma_start3A_111 = arith.constant 0 : i32
      %dma_start3A_112 = tpu.memref_slice %arg7[%dma_start3A_110, %dma_start3A_111] : memref<1600x32xf32, #tpu.memory_space<vmem>> -> memref<80x32xf32, #tpu.memory_space<vmem>>
      %dma_start3A_113 = arith.constant 960 : i32
      %dma_start3A_114 = tpu.memref_slice %arg6[%dma_start3A_113] : memref<1600xi32, #tpu.memory_space<vmem>> -> memref<80xi32, #tpu.memory_space<vmem>>
      %dma_start3A_115 = arith.constant 0 : i32
      %dma_start3A_116 = arith.constant 0 : i32
      %dma_start3A_117 = tpu.memref_slice %arg3[%dma_start3A_115, %dma_start3A_116] : memref<1000000x32xf32, #tpu.memory_space<hbm>> -> memref<1000000x32xf32, #tpu.memory_space<hbm>>
      tpu.enqueue_indirect_dma source(%dma_start3A_117 : memref<1000000x32xf32, #tpu.memory_space<hbm>>) target(%dma_start3A_112 : memref<80x32xf32, #tpu.memory_space<vmem>>) offsets(%dma_start3A_114 : memref<80xi32, #tpu.memory_space<vmem>>) semaphore(%arg10 : memref<!tpu.dma_semaphore, #tpu.memory_space<semaphore_mem>>)
      %dma_start3A_118 = arith.constant 1040 : i32
      %dma_start3A_119 = arith.constant 0 : i32
      %dma_start3A_120 = tpu.memref_slice %arg7[%dma_start3A_118, %dma_start3A_119] : memref<1600x32xf32, #tpu.memory_space<vmem>> -> memref<80x32xf32, #tpu.memory_space<vmem>>
      %dma_start3A_121 = arith.constant 1040 : i32
      %dma_start3A_122 = tpu.memref_slice %arg6[%dma_start3A_121] : memref<1600xi32, #tpu.memory_space<vmem>> -> memref<80xi32, #tpu.memory_space<vmem>>
      %dma_start3A_123 = arith.constant 0 : i32
      %dma_start3A_124 = arith.constant 0 : i32
      %dma_start3A_125 = tpu.memref_slice %arg3[%dma_start3A_123, %dma_start3A_124] : memref<1000000x32xf32, #tpu.memory_space<hbm>> -> memref<1000000x32xf32, #tpu.memory_space<hbm>>
      tpu.enqueue_indirect_dma source(%dma_start3A_125 : memref<1000000x32xf32, #tpu.memory_space<hbm>>) target(%dma_start3A_120 : memref<80x32xf32, #tpu.memory_space<vmem>>) offsets(%dma_start3A_122 : memref<80xi32, #tpu.memory_space<vmem>>) semaphore(%arg10 : memref<!tpu.dma_semaphore, #tpu.memory_space<semaphore_mem>>)
      %dma_start3A_126 = arith.constant 1120 : i32
      %dma_start3A_127 = arith.constant 0 : i32
      %dma_start3A_128 = tpu.memref_slice %arg7[%dma_start3A_126, %dma_start3A_127] : memref<1600x32xf32, #tpu.memory_space<vmem>> -> memref<80x32xf32, #tpu.memory_space<vmem>>
      %dma_start3A_129 = arith.constant 1120 : i32
      %dma_start3A_130 = tpu.memref_slice %arg6[%dma_start3A_129] : memref<1600xi32, #tpu.memory_space<vmem>> -> memref<80xi32, #tpu.memory_space<vmem>>
      %dma_start3A_131 = arith.constant 0 : i32
      %dma_start3A_132 = arith.constant 0 : i32
      %dma_start3A_133 = tpu.memref_slice %arg3[%dma_start3A_131, %dma_start3A_132] : memref<1000000x32xf32, #tpu.memory_space<hbm>> -> memref<1000000x32xf32, #tpu.memory_space<hbm>>
      tpu.enqueue_indirect_dma source(%dma_start3A_133 : memref<1000000x32xf32, #tpu.memory_space<hbm>>) target(%dma_start3A_128 : memref<80x32xf32, #tpu.memory_space<vmem>>) offsets(%dma_start3A_130 : memref<80xi32, #tpu.memory_space<vmem>>) semaphore(%arg10 : memref<!tpu.dma_semaphore, #tpu.memory_space<semaphore_mem>>)
      %dma_start3A_134 = arith.constant 1200 : i32
      %dma_start3A_135 = arith.constant 0 : i32
      %dma_start3A_136 = tpu.memref_slice %arg7[%dma_start3A_134, %dma_start3A_135] : memref<1600x32xf32, #tpu.memory_space<vmem>> -> memref<80x32xf32, #tpu.memory_space<vmem>>
      %dma_start3A_137 = arith.constant 1200 : i32
      %dma_start3A_138 = tpu.memref_slice %arg6[%dma_start3A_137] : memref<1600xi32, #tpu.memory_space<vmem>> -> memref<80xi32, #tpu.memory_space<vmem>>
      %dma_start3A_139 = arith.constant 0 : i32
      %dma_start3A_140 = arith.constant 0 : i32
      %dma_start3A_141 = tpu.memref_slice %arg3[%dma_start3A_139, %dma_start3A_140] : memref<1000000x32xf32, #tpu.memory_space<hbm>> -> memref<1000000x32xf32, #tpu.memory_space<hbm>>
      tpu.enqueue_indirect_dma source(%dma_start3A_141 : memref<1000000x32xf32, #tpu.memory_space<hbm>>) target(%dma_start3A_136 : memref<80x32xf32, #tpu.memory_space<vmem>>) offsets(%dma_start3A_138 : memref<80xi32, #tpu.memory_space<vmem>>) semaphore(%arg10 : memref<!tpu.dma_semaphore, #tpu.memory_space<semaphore_mem>>)
      %dma_start3A_142 = arith.constant 1280 : i32
      %dma_start3A_143 = arith.constant 0 : i32
      %dma_start3A_144 = tpu.memref_slice %arg7[%dma_start3A_142, %dma_start3A_143] : memref<1600x32xf32, #tpu.memory_space<vmem>> -> memref<80x32xf32, #tpu.memory_space<vmem>>
      %dma_start3A_145 = arith.constant 1280 : i32
      %dma_start3A_146 = tpu.memref_slice %arg6[%dma_start3A_145] : memref<1600xi32, #tpu.memory_space<vmem>> -> memref<80xi32, #tpu.memory_space<vmem>>
      %dma_start3A_147 = arith.constant 0 : i32
      %dma_start3A_148 = arith.constant 0 : i32
      %dma_start3A_149 = tpu.memref_slice %arg3[%dma_start3A_147, %dma_start3A_148] : memref<1000000x32xf32, #tpu.memory_space<hbm>> -> memref<1000000x32xf32, #tpu.memory_space<hbm>>
      tpu.enqueue_indirect_dma source(%dma_start3A_149 : memref<1000000x32xf32, #tpu.memory_space<hbm>>) target(%dma_start3A_144 : memref<80x32xf32, #tpu.memory_space<vmem>>) offsets(%dma_start3A_146 : memref<80xi32, #tpu.memory_space<vmem>>) semaphore(%arg10 : memref<!tpu.dma_semaphore, #tpu.memory_space<semaphore_mem>>)
      %dma_start3A_150 = arith.constant 1360 : i32
      %dma_start3A_151 = arith.constant 0 : i32
      %dma_start3A_152 = tpu.memref_slice %arg7[%dma_start3A_150, %dma_start3A_151] : memref<1600x32xf32, #tpu.memory_space<vmem>> -> memref<80x32xf32, #tpu.memory_space<vmem>>
      %dma_start3A_153 = arith.constant 1360 : i32
      %dma_start3A_154 = tpu.memref_slice %arg6[%dma_start3A_153] : memref<1600xi32, #tpu.memory_space<vmem>> -> memref<80xi32, #tpu.memory_space<vmem>>
      %dma_start3A_155 = arith.constant 0 : i32
      %dma_start3A_156 = arith.constant 0 : i32
      %dma_start3A_157 = tpu.memref_slice %arg3[%dma_start3A_155, %dma_start3A_156] : memref<1000000x32xf32, #tpu.memory_space<hbm>> -> memref<1000000x32xf32, #tpu.memory_space<hbm>>
      tpu.enqueue_indirect_dma source(%dma_start3A_157 : memref<1000000x32xf32, #tpu.memory_space<hbm>>) target(%dma_start3A_152 : memref<80x32xf32, #tpu.memory_space<vmem>>) offsets(%dma_start3A_154 : memref<80xi32, #tpu.memory_space<vmem>>) semaphore(%arg10 : memref<!tpu.dma_semaphore, #tpu.memory_space<semaphore_mem>>)
      %dma_start3A_158 = arith.constant 1440 : i32
      %dma_start3A_159 = arith.constant 0 : i32
      %dma_start3A_160 = tpu.memref_slice %arg7[%dma_start3A_158, %dma_start3A_159] : memref<1600x32xf32, #tpu.memory_space<vmem>> -> memref<80x32xf32, #tpu.memory_space<vmem>>
      %dma_start3A_161 = arith.constant 1440 : i32
      %dma_start3A_162 = tpu.memref_slice %arg6[%dma_start3A_161] : memref<1600xi32, #tpu.memory_space<vmem>> -> memref<80xi32, #tpu.memory_space<vmem>>
      %dma_start3A_163 = arith.constant 0 : i32
      %dma_start3A_164 = arith.constant 0 : i32
      %dma_start3A_165 = tpu.memref_slice %arg3[%dma_start3A_163, %dma_start3A_164] : memref<1000000x32xf32, #tpu.memory_space<hbm>> -> memref<1000000x32xf32, #tpu.memory_space<hbm>>
      tpu.enqueue_indirect_dma source(%dma_start3A_165 : memref<1000000x32xf32, #tpu.memory_space<hbm>>) target(%dma_start3A_160 : memref<80x32xf32, #tpu.memory_space<vmem>>) offsets(%dma_start3A_162 : memref<80xi32, #tpu.memory_space<vmem>>) semaphore(%arg10 : memref<!tpu.dma_semaphore, #tpu.memory_space<semaphore_mem>>)
      %dma_start3A_166 = arith.constant 1520 : i32
      %dma_start3A_167 = arith.constant 0 : i32
      %dma_start3A_168 = tpu.memref_slice %arg7[%dma_start3A_166, %dma_start3A_167] : memref<1600x32xf32, #tpu.memory_space<vmem>> -> memref<80x32xf32, #tpu.memory_space<vmem>>
      %dma_start3A_169 = arith.constant 1520 : i32
      %dma_start3A_170 = tpu.memref_slice %arg6[%dma_start3A_169] : memref<1600xi32, #tpu.memory_space<vmem>> -> memref<80xi32, #tpu.memory_space<vmem>>
      %dma_start3A_171 = arith.constant 0 : i32
      %dma_start3A_172 = arith.constant 0 : i32
      %dma_start3A_173 = tpu.memref_slice %arg3[%dma_start3A_171, %dma_start3A_172] : memref<1000000x32xf32, #tpu.memory_space<hbm>> -> memref<1000000x32xf32, #tpu.memory_space<hbm>>
      tpu.enqueue_indirect_dma source(%dma_start3A_173 : memref<1000000x32xf32, #tpu.memory_space<hbm>>) target(%dma_start3A_168 : memref<80x32xf32, #tpu.memory_space<vmem>>) offsets(%dma_start3A_170 : memref<80xi32, #tpu.memory_space<vmem>>) semaphore(%arg10 : memref<!tpu.dma_semaphore, #tpu.memory_space<semaphore_mem>>)
      %dma_wait3A = arith.constant 0 : i32
      %dma_wait3A_174 = arith.constant 0 : i32
      %dma_wait3A_175 = tpu.memref_slice %arg7[%dma_wait3A, %dma_wait3A_174] : memref<1600x32xf32, #tpu.memory_space<vmem>> -> memref<80x32xf32, #tpu.memory_space<vmem>>
      %dma_wait3A_176 = arith.constant 0 : i32
      %dma_wait3A_177 = tpu.memref_slice %arg6[%dma_wait3A_176] : memref<1600xi32, #tpu.memory_space<vmem>> -> memref<80xi32, #tpu.memory_space<vmem>>
      %dma_wait3A_178 = arith.constant 0 : i32
      %dma_wait3A_179 = arith.constant 0 : i32
      %dma_wait3A_180 = tpu.memref_slice %arg3[%dma_wait3A_178, %dma_wait3A_179] : memref<1000000x32xf32, #tpu.memory_space<hbm>> -> memref<1000000x32xf32, #tpu.memory_space<hbm>>
      tpu.wait_indirect_dma semaphore(%arg10 : memref<!tpu.dma_semaphore, #tpu.memory_space<semaphore_mem>>) src(%dma_wait3A_180 : memref<1000000x32xf32, #tpu.memory_space<hbm>>) dst(%dma_wait3A_175 : memref<80x32xf32, #tpu.memory_space<vmem>>)
      %dma_wait3A_181 = arith.constant 80 : i32
      %dma_wait3A_182 = arith.constant 0 : i32
      %dma_wait3A_183 = tpu.memref_slice %arg7[%dma_wait3A_181, %dma_wait3A_182] : memref<1600x32xf32, #tpu.memory_space<vmem>> -> memref<80x32xf32, #tpu.memory_space<vmem>>
      %dma_wait3A_184 = arith.constant 80 : i32
      %dma_wait3A_185 = tpu.memref_slice %arg6[%dma_wait3A_184] : memref<1600xi32, #tpu.memory_space<vmem>> -> memref<80xi32, #tpu.memory_space<vmem>>
      %dma_wait3A_186 = arith.constant 0 : i32
      %dma_wait3A_187 = arith.constant 0 : i32
      %dma_wait3A_188 = tpu.memref_slice %arg3[%dma_wait3A_186, %dma_wait3A_187] : memref<1000000x32xf32, #tpu.memory_space<hbm>> -> memref<1000000x32xf32, #tpu.memory_space<hbm>>
      tpu.wait_indirect_dma semaphore(%arg10 : memref<!tpu.dma_semaphore, #tpu.memory_space<semaphore_mem>>) src(%dma_wait3A_188 : memref<1000000x32xf32, #tpu.memory_space<hbm>>) dst(%dma_wait3A_183 : memref<80x32xf32, #tpu.memory_space<vmem>>)
      %dma_wait3A_189 = arith.constant 160 : i32
      %dma_wait3A_190 = arith.constant 0 : i32
      %dma_wait3A_191 = tpu.memref_slice %arg7[%dma_wait3A_189, %dma_wait3A_190] : memref<1600x32xf32, #tpu.memory_space<vmem>> -> memref<80x32xf32, #tpu.memory_space<vmem>>
      %dma_wait3A_192 = arith.constant 160 : i32
      %dma_wait3A_193 = tpu.memref_slice %arg6[%dma_wait3A_192] : memref<1600xi32, #tpu.memory_space<vmem>> -> memref<80xi32, #tpu.memory_space<vmem>>
      %dma_wait3A_194 = arith.constant 0 : i32
      %dma_wait3A_195 = arith.constant 0 : i32
      %dma_wait3A_196 = tpu.memref_slice %arg3[%dma_wait3A_194, %dma_wait3A_195] : memref<1000000x32xf32, #tpu.memory_space<hbm>> -> memref<1000000x32xf32, #tpu.memory_space<hbm>>
      tpu.wait_indirect_dma semaphore(%arg10 : memref<!tpu.dma_semaphore, #tpu.memory_space<semaphore_mem>>) src(%dma_wait3A_196 : memref<1000000x32xf32, #tpu.memory_space<hbm>>) dst(%dma_wait3A_191 : memref<80x32xf32, #tpu.memory_space<vmem>>)
      %dma_wait3A_197 = arith.constant 240 : i32
      %dma_wait3A_198 = arith.constant 0 : i32
      %dma_wait3A_199 = tpu.memref_slice %arg7[%dma_wait3A_197, %dma_wait3A_198] : memref<1600x32xf32, #tpu.memory_space<vmem>> -> memref<80x32xf32, #tpu.memory_space<vmem>>
      %dma_wait3A_200 = arith.constant 240 : i32
      %dma_wait3A_201 = tpu.memref_slice %arg6[%dma_wait3A_200] : memref<1600xi32, #tpu.memory_space<vmem>> -> memref<80xi32, #tpu.memory_space<vmem>>
      %dma_wait3A_202 = arith.constant 0 : i32
      %dma_wait3A_203 = arith.constant 0 : i32
      %dma_wait3A_204 = tpu.memref_slice %arg3[%dma_wait3A_202, %dma_wait3A_203] : memref<1000000x32xf32, #tpu.memory_space<hbm>> -> memref<1000000x32xf32, #tpu.memory_space<hbm>>
      tpu.wait_indirect_dma semaphore(%arg10 : memref<!tpu.dma_semaphore, #tpu.memory_space<semaphore_mem>>) src(%dma_wait3A_204 : memref<1000000x32xf32, #tpu.memory_space<hbm>>) dst(%dma_wait3A_199 : memref<80x32xf32, #tpu.memory_space<vmem>>)
      %dma_wait3A_205 = arith.constant 320 : i32
      %dma_wait3A_206 = arith.constant 0 : i32
      %dma_wait3A_207 = tpu.memref_slice %arg7[%dma_wait3A_205, %dma_wait3A_206] : memref<1600x32xf32, #tpu.memory_space<vmem>> -> memref<80x32xf32, #tpu.memory_space<vmem>>
      %dma_wait3A_208 = arith.constant 320 : i32
      %dma_wait3A_209 = tpu.memref_slice %arg6[%dma_wait3A_208] : memref<1600xi32, #tpu.memory_space<vmem>> -> memref<80xi32, #tpu.memory_space<vmem>>
      %dma_wait3A_210 = arith.constant 0 : i32
      %dma_wait3A_211 = arith.constant 0 : i32
      %dma_wait3A_212 = tpu.memref_slice %arg3[%dma_wait3A_210, %dma_wait3A_211] : memref<1000000x32xf32, #tpu.memory_space<hbm>> -> memref<1000000x32xf32, #tpu.memory_space<hbm>>
      tpu.wait_indirect_dma semaphore(%arg10 : memref<!tpu.dma_semaphore, #tpu.memory_space<semaphore_mem>>) src(%dma_wait3A_212 : memref<1000000x32xf32, #tpu.memory_space<hbm>>) dst(%dma_wait3A_207 : memref<80x32xf32, #tpu.memory_space<vmem>>)
      %dma_wait3A_213 = arith.constant 400 : i32
      %dma_wait3A_214 = arith.constant 0 : i32
      %dma_wait3A_215 = tpu.memref_slice %arg7[%dma_wait3A_213, %dma_wait3A_214] : memref<1600x32xf32, #tpu.memory_space<vmem>> -> memref<80x32xf32, #tpu.memory_space<vmem>>
      %dma_wait3A_216 = arith.constant 400 : i32
      %dma_wait3A_217 = tpu.memref_slice %arg6[%dma_wait3A_216] : memref<1600xi32, #tpu.memory_space<vmem>> -> memref<80xi32, #tpu.memory_space<vmem>>
      %dma_wait3A_218 = arith.constant 0 : i32
      %dma_wait3A_219 = arith.constant 0 : i32
      %dma_wait3A_220 = tpu.memref_slice %arg3[%dma_wait3A_218, %dma_wait3A_219] : memref<1000000x32xf32, #tpu.memory_space<hbm>> -> memref<1000000x32xf32, #tpu.memory_space<hbm>>
      tpu.wait_indirect_dma semaphore(%arg10 : memref<!tpu.dma_semaphore, #tpu.memory_space<semaphore_mem>>) src(%dma_wait3A_220 : memref<1000000x32xf32, #tpu.memory_space<hbm>>) dst(%dma_wait3A_215 : memref<80x32xf32, #tpu.memory_space<vmem>>)
      %dma_wait3A_221 = arith.constant 480 : i32
      %dma_wait3A_222 = arith.constant 0 : i32
      %dma_wait3A_223 = tpu.memref_slice %arg7[%dma_wait3A_221, %dma_wait3A_222] : memref<1600x32xf32, #tpu.memory_space<vmem>> -> memref<80x32xf32, #tpu.memory_space<vmem>>
      %dma_wait3A_224 = arith.constant 480 : i32
      %dma_wait3A_225 = tpu.memref_slice %arg6[%dma_wait3A_224] : memref<1600xi32, #tpu.memory_space<vmem>> -> memref<80xi32, #tpu.memory_space<vmem>>
      %dma_wait3A_226 = arith.constant 0 : i32
      %dma_wait3A_227 = arith.constant 0 : i32
      %dma_wait3A_228 = tpu.memref_slice %arg3[%dma_wait3A_226, %dma_wait3A_227] : memref<1000000x32xf32, #tpu.memory_space<hbm>> -> memref<1000000x32xf32, #tpu.memory_space<hbm>>
      tpu.wait_indirect_dma semaphore(%arg10 : memref<!tpu.dma_semaphore, #tpu.memory_space<semaphore_mem>>) src(%dma_wait3A_228 : memref<1000000x32xf32, #tpu.memory_space<hbm>>) dst(%dma_wait3A_223 : memref<80x32xf32, #tpu.memory_space<vmem>>)
      %dma_wait3A_229 = arith.constant 560 : i32
      %dma_wait3A_230 = arith.constant 0 : i32
      %dma_wait3A_231 = tpu.memref_slice %arg7[%dma_wait3A_229, %dma_wait3A_230] : memref<1600x32xf32, #tpu.memory_space<vmem>> -> memref<80x32xf32, #tpu.memory_space<vmem>>
      %dma_wait3A_232 = arith.constant 560 : i32
      %dma_wait3A_233 = tpu.memref_slice %arg6[%dma_wait3A_232] : memref<1600xi32, #tpu.memory_space<vmem>> -> memref<80xi32, #tpu.memory_space<vmem>>
      %dma_wait3A_234 = arith.constant 0 : i32
      %dma_wait3A_235 = arith.constant 0 : i32
      %dma_wait3A_236 = tpu.memref_slice %arg3[%dma_wait3A_234, %dma_wait3A_235] : memref<1000000x32xf32, #tpu.memory_space<hbm>> -> memref<1000000x32xf32, #tpu.memory_space<hbm>>
      tpu.wait_indirect_dma semaphore(%arg10 : memref<!tpu.dma_semaphore, #tpu.memory_space<semaphore_mem>>) src(%dma_wait3A_236 : memref<1000000x32xf32, #tpu.memory_space<hbm>>) dst(%dma_wait3A_231 : memref<80x32xf32, #tpu.memory_space<vmem>>)
      %dma_wait3A_237 = arith.constant 640 : i32
      %dma_wait3A_238 = arith.constant 0 : i32
      %dma_wait3A_239 = tpu.memref_slice %arg7[%dma_wait3A_237, %dma_wait3A_238] : memref<1600x32xf32, #tpu.memory_space<vmem>> -> memref<80x32xf32, #tpu.memory_space<vmem>>
      %dma_wait3A_240 = arith.constant 640 : i32
      %dma_wait3A_241 = tpu.memref_slice %arg6[%dma_wait3A_240] : memref<1600xi32, #tpu.memory_space<vmem>> -> memref<80xi32, #tpu.memory_space<vmem>>
      %dma_wait3A_242 = arith.constant 0 : i32
      %dma_wait3A_243 = arith.constant 0 : i32
      %dma_wait3A_244 = tpu.memref_slice %arg3[%dma_wait3A_242, %dma_wait3A_243] : memref<1000000x32xf32, #tpu.memory_space<hbm>> -> memref<1000000x32xf32, #tpu.memory_space<hbm>>
      tpu.wait_indirect_dma semaphore(%arg10 : memref<!tpu.dma_semaphore, #tpu.memory_space<semaphore_mem>>) src(%dma_wait3A_244 : memref<1000000x32xf32, #tpu.memory_space<hbm>>) dst(%dma_wait3A_239 : memref<80x32xf32, #tpu.memory_space<vmem>>)
      %dma_wait3A_245 = arith.constant 720 : i32
      %dma_wait3A_246 = arith.constant 0 : i32
      %dma_wait3A_247 = tpu.memref_slice %arg7[%dma_wait3A_245, %dma_wait3A_246] : memref<1600x32xf32, #tpu.memory_space<vmem>> -> memref<80x32xf32, #tpu.memory_space<vmem>>
      %dma_wait3A_248 = arith.constant 720 : i32
      %dma_wait3A_249 = tpu.memref_slice %arg6[%dma_wait3A_248] : memref<1600xi32, #tpu.memory_space<vmem>> -> memref<80xi32, #tpu.memory_space<vmem>>
      %dma_wait3A_250 = arith.constant 0 : i32
      %dma_wait3A_251 = arith.constant 0 : i32
      %dma_wait3A_252 = tpu.memref_slice %arg3[%dma_wait3A_250, %dma_wait3A_251] : memref<1000000x32xf32, #tpu.memory_space<hbm>> -> memref<1000000x32xf32, #tpu.memory_space<hbm>>
      tpu.wait_indirect_dma semaphore(%arg10 : memref<!tpu.dma_semaphore, #tpu.memory_space<semaphore_mem>>) src(%dma_wait3A_252 : memref<1000000x32xf32, #tpu.memory_space<hbm>>) dst(%dma_wait3A_247 : memref<80x32xf32, #tpu.memory_space<vmem>>)
      %dma_wait3A_253 = arith.constant 800 : i32
      %dma_wait3A_254 = arith.constant 0 : i32
      %dma_wait3A_255 = tpu.memref_slice %arg7[%dma_wait3A_253, %dma_wait3A_254] : memref<1600x32xf32, #tpu.memory_space<vmem>> -> memref<80x32xf32, #tpu.memory_space<vmem>>
      %dma_wait3A_256 = arith.constant 800 : i32
      %dma_wait3A_257 = tpu.memref_slice %arg6[%dma_wait3A_256] : memref<1600xi32, #tpu.memory_space<vmem>> -> memref<80xi32, #tpu.memory_space<vmem>>
      %dma_wait3A_258 = arith.constant 0 : i32
      %dma_wait3A_259 = arith.constant 0 : i32
      %dma_wait3A_260 = tpu.memref_slice %arg3[%dma_wait3A_258, %dma_wait3A_259] : memref<1000000x32xf32, #tpu.memory_space<hbm>> -> memref<1000000x32xf32, #tpu.memory_space<hbm>>
      tpu.wait_indirect_dma semaphore(%arg10 : memref<!tpu.dma_semaphore, #tpu.memory_space<semaphore_mem>>) src(%dma_wait3A_260 : memref<1000000x32xf32, #tpu.memory_space<hbm>>) dst(%dma_wait3A_255 : memref<80x32xf32, #tpu.memory_space<vmem>>)
      %dma_wait3A_261 = arith.constant 880 : i32
      %dma_wait3A_262 = arith.constant 0 : i32
      %dma_wait3A_263 = tpu.memref_slice %arg7[%dma_wait3A_261, %dma_wait3A_262] : memref<1600x32xf32, #tpu.memory_space<vmem>> -> memref<80x32xf32, #tpu.memory_space<vmem>>
      %dma_wait3A_264 = arith.constant 880 : i32
      %dma_wait3A_265 = tpu.memref_slice %arg6[%dma_wait3A_264] : memref<1600xi32, #tpu.memory_space<vmem>> -> memref<80xi32, #tpu.memory_space<vmem>>
      %dma_wait3A_266 = arith.constant 0 : i32
      %dma_wait3A_267 = arith.constant 0 : i32
      %dma_wait3A_268 = tpu.memref_slice %arg3[%dma_wait3A_266, %dma_wait3A_267] : memref<1000000x32xf32, #tpu.memory_space<hbm>> -> memref<1000000x32xf32, #tpu.memory_space<hbm>>
      tpu.wait_indirect_dma semaphore(%arg10 : memref<!tpu.dma_semaphore, #tpu.memory_space<semaphore_mem>>) src(%dma_wait3A_268 : memref<1000000x32xf32, #tpu.memory_space<hbm>>) dst(%dma_wait3A_263 : memref<80x32xf32, #tpu.memory_space<vmem>>)
      %dma_wait3A_269 = arith.constant 960 : i32
      %dma_wait3A_270 = arith.constant 0 : i32
      %dma_wait3A_271 = tpu.memref_slice %arg7[%dma_wait3A_269, %dma_wait3A_270] : memref<1600x32xf32, #tpu.memory_space<vmem>> -> memref<80x32xf32, #tpu.memory_space<vmem>>
      %dma_wait3A_272 = arith.constant 960 : i32
      %dma_wait3A_273 = tpu.memref_slice %arg6[%dma_wait3A_272] : memref<1600xi32, #tpu.memory_space<vmem>> -> memref<80xi32, #tpu.memory_space<vmem>>
      %dma_wait3A_274 = arith.constant 0 : i32
      %dma_wait3A_275 = arith.constant 0 : i32
      %dma_wait3A_276 = tpu.memref_slice %arg3[%dma_wait3A_274, %dma_wait3A_275] : memref<1000000x32xf32, #tpu.memory_space<hbm>> -> memref<1000000x32xf32, #tpu.memory_space<hbm>>
      tpu.wait_indirect_dma semaphore(%arg10 : memref<!tpu.dma_semaphore, #tpu.memory_space<semaphore_mem>>) src(%dma_wait3A_276 : memref<1000000x32xf32, #tpu.memory_space<hbm>>) dst(%dma_wait3A_271 : memref<80x32xf32, #tpu.memory_space<vmem>>)
      %dma_wait3A_277 = arith.constant 1040 : i32
      %dma_wait3A_278 = arith.constant 0 : i32
      %dma_wait3A_279 = tpu.memref_slice %arg7[%dma_wait3A_277, %dma_wait3A_278] : memref<1600x32xf32, #tpu.memory_space<vmem>> -> memref<80x32xf32, #tpu.memory_space<vmem>>
      %dma_wait3A_280 = arith.constant 1040 : i32
      %dma_wait3A_281 = tpu.memref_slice %arg6[%dma_wait3A_280] : memref<1600xi32, #tpu.memory_space<vmem>> -> memref<80xi32, #tpu.memory_space<vmem>>
      %dma_wait3A_282 = arith.constant 0 : i32
      %dma_wait3A_283 = arith.constant 0 : i32
      %dma_wait3A_284 = tpu.memref_slice %arg3[%dma_wait3A_282, %dma_wait3A_283] : memref<1000000x32xf32, #tpu.memory_space<hbm>> -> memref<1000000x32xf32, #tpu.memory_space<hbm>>
      tpu.wait_indirect_dma semaphore(%arg10 : memref<!tpu.dma_semaphore, #tpu.memory_space<semaphore_mem>>) src(%dma_wait3A_284 : memref<1000000x32xf32, #tpu.memory_space<hbm>>) dst(%dma_wait3A_279 : memref<80x32xf32, #tpu.memory_space<vmem>>)
      %dma_wait3A_285 = arith.constant 1120 : i32
      %dma_wait3A_286 = arith.constant 0 : i32
      %dma_wait3A_287 = tpu.memref_slice %arg7[%dma_wait3A_285, %dma_wait3A_286] : memref<1600x32xf32, #tpu.memory_space<vmem>> -> memref<80x32xf32, #tpu.memory_space<vmem>>
      %dma_wait3A_288 = arith.constant 1120 : i32
      %dma_wait3A_289 = tpu.memref_slice %arg6[%dma_wait3A_288] : memref<1600xi32, #tpu.memory_space<vmem>> -> memref<80xi32, #tpu.memory_space<vmem>>
      %dma_wait3A_290 = arith.constant 0 : i32
      %dma_wait3A_291 = arith.constant 0 : i32
      %dma_wait3A_292 = tpu.memref_slice %arg3[%dma_wait3A_290, %dma_wait3A_291] : memref<1000000x32xf32, #tpu.memory_space<hbm>> -> memref<1000000x32xf32, #tpu.memory_space<hbm>>
      tpu.wait_indirect_dma semaphore(%arg10 : memref<!tpu.dma_semaphore, #tpu.memory_space<semaphore_mem>>) src(%dma_wait3A_292 : memref<1000000x32xf32, #tpu.memory_space<hbm>>) dst(%dma_wait3A_287 : memref<80x32xf32, #tpu.memory_space<vmem>>)
      %dma_wait3A_293 = arith.constant 1200 : i32
      %dma_wait3A_294 = arith.constant 0 : i32
      %dma_wait3A_295 = tpu.memref_slice %arg7[%dma_wait3A_293, %dma_wait3A_294] : memref<1600x32xf32, #tpu.memory_space<vmem>> -> memref<80x32xf32, #tpu.memory_space<vmem>>
      %dma_wait3A_296 = arith.constant 1200 : i32
      %dma_wait3A_297 = tpu.memref_slice %arg6[%dma_wait3A_296] : memref<1600xi32, #tpu.memory_space<vmem>> -> memref<80xi32, #tpu.memory_space<vmem>>
      %dma_wait3A_298 = arith.constant 0 : i32
      %dma_wait3A_299 = arith.constant 0 : i32
      %dma_wait3A_300 = tpu.memref_slice %arg3[%dma_wait3A_298, %dma_wait3A_299] : memref<1000000x32xf32, #tpu.memory_space<hbm>> -> memref<1000000x32xf32, #tpu.memory_space<hbm>>
      tpu.wait_indirect_dma semaphore(%arg10 : memref<!tpu.dma_semaphore, #tpu.memory_space<semaphore_mem>>) src(%dma_wait3A_300 : memref<1000000x32xf32, #tpu.memory_space<hbm>>) dst(%dma_wait3A_295 : memref<80x32xf32, #tpu.memory_space<vmem>>)
      %dma_wait3A_301 = arith.constant 1280 : i32
      %dma_wait3A_302 = arith.constant 0 : i32
      %dma_wait3A_303 = tpu.memref_slice %arg7[%dma_wait3A_301, %dma_wait3A_302] : memref<1600x32xf32, #tpu.memory_space<vmem>> -> memref<80x32xf32, #tpu.memory_space<vmem>>
      %dma_wait3A_304 = arith.constant 1280 : i32
      %dma_wait3A_305 = tpu.memref_slice %arg6[%dma_wait3A_304] : memref<1600xi32, #tpu.memory_space<vmem>> -> memref<80xi32, #tpu.memory_space<vmem>>
      %dma_wait3A_306 = arith.constant 0 : i32
      %dma_wait3A_307 = arith.constant 0 : i32
      %dma_wait3A_308 = tpu.memref_slice %arg3[%dma_wait3A_306, %dma_wait3A_307] : memref<1000000x32xf32, #tpu.memory_space<hbm>> -> memref<1000000x32xf32, #tpu.memory_space<hbm>>
      tpu.wait_indirect_dma semaphore(%arg10 : memref<!tpu.dma_semaphore, #tpu.memory_space<semaphore_mem>>) src(%dma_wait3A_308 : memref<1000000x32xf32, #tpu.memory_space<hbm>>) dst(%dma_wait3A_303 : memref<80x32xf32, #tpu.memory_space<vmem>>)
      %dma_wait3A_309 = arith.constant 1360 : i32
      %dma_wait3A_310 = arith.constant 0 : i32
      %dma_wait3A_311 = tpu.memref_slice %arg7[%dma_wait3A_309, %dma_wait3A_310] : memref<1600x32xf32, #tpu.memory_space<vmem>> -> memref<80x32xf32, #tpu.memory_space<vmem>>
      %dma_wait3A_312 = arith.constant 1360 : i32
      %dma_wait3A_313 = tpu.memref_slice %arg6[%dma_wait3A_312] : memref<1600xi32, #tpu.memory_space<vmem>> -> memref<80xi32, #tpu.memory_space<vmem>>
      %dma_wait3A_314 = arith.constant 0 : i32
      %dma_wait3A_315 = arith.constant 0 : i32
      %dma_wait3A_316 = tpu.memref_slice %arg3[%dma_wait3A_314, %dma_wait3A_315] : memref<1000000x32xf32, #tpu.memory_space<hbm>> -> memref<1000000x32xf32, #tpu.memory_space<hbm>>
      tpu.wait_indirect_dma semaphore(%arg10 : memref<!tpu.dma_semaphore, #tpu.memory_space<semaphore_mem>>) src(%dma_wait3A_316 : memref<1000000x32xf32, #tpu.memory_space<hbm>>) dst(%dma_wait3A_311 : memref<80x32xf32, #tpu.memory_space<vmem>>)
      %dma_wait3A_317 = arith.constant 1440 : i32
      %dma_wait3A_318 = arith.constant 0 : i32
      %dma_wait3A_319 = tpu.memref_slice %arg7[%dma_wait3A_317, %dma_wait3A_318] : memref<1600x32xf32, #tpu.memory_space<vmem>> -> memref<80x32xf32, #tpu.memory_space<vmem>>
      %dma_wait3A_320 = arith.constant 1440 : i32
      %dma_wait3A_321 = tpu.memref_slice %arg6[%dma_wait3A_320] : memref<1600xi32, #tpu.memory_space<vmem>> -> memref<80xi32, #tpu.memory_space<vmem>>
      %dma_wait3A_322 = arith.constant 0 : i32
      %dma_wait3A_323 = arith.constant 0 : i32
      %dma_wait3A_324 = tpu.memref_slice %arg3[%dma_wait3A_322, %dma_wait3A_323] : memref<1000000x32xf32, #tpu.memory_space<hbm>> -> memref<1000000x32xf32, #tpu.memory_space<hbm>>
      tpu.wait_indirect_dma semaphore(%arg10 : memref<!tpu.dma_semaphore, #tpu.memory_space<semaphore_mem>>) src(%dma_wait3A_324 : memref<1000000x32xf32, #tpu.memory_space<hbm>>) dst(%dma_wait3A_319 : memref<80x32xf32, #tpu.memory_space<vmem>>)
      %dma_wait3A_325 = arith.constant 1520 : i32
      %dma_wait3A_326 = arith.constant 0 : i32
      %dma_wait3A_327 = tpu.memref_slice %arg7[%dma_wait3A_325, %dma_wait3A_326] : memref<1600x32xf32, #tpu.memory_space<vmem>> -> memref<80x32xf32, #tpu.memory_space<vmem>>
      %dma_wait3A_328 = arith.constant 1520 : i32
      %dma_wait3A_329 = tpu.memref_slice %arg6[%dma_wait3A_328] : memref<1600xi32, #tpu.memory_space<vmem>> -> memref<80xi32, #tpu.memory_space<vmem>>
      %dma_wait3A_330 = arith.constant 0 : i32
      %dma_wait3A_331 = arith.constant 0 : i32
      %dma_wait3A_332 = tpu.memref_slice %arg3[%dma_wait3A_330, %dma_wait3A_331] : memref<1000000x32xf32, #tpu.memory_space<hbm>> -> memref<1000000x32xf32, #tpu.memory_space<hbm>>
      tpu.wait_indirect_dma semaphore(%arg10 : memref<!tpu.dma_semaphore, #tpu.memory_space<semaphore_mem>>) src(%dma_wait3A_332 : memref<1000000x32xf32, #tpu.memory_space<hbm>>) dst(%dma_wait3A_327 : memref<80x32xf32, #tpu.memory_space<vmem>>)
      %scan3A_333 = arith.constant 0 : i32
      %scan3A_334 = arith.constant 0 : i32
      %scan3A_335 = arith.constant 200 : i32
      %scan3A_336 = arith.addi %scan3A_334, %scan3A_335 : i32
      %scan3A_337 = arith.constant 1 : i32
      %scan3A_338 = scf.for %scan3A_343 = %scan3A_334 to %scan3A_336 step %scan3A_337 iter_args(%scan3A_344 = %scan3A_333) -> (i32)  : i32 {
        %get3A = arith.index_cast %scan3A_343 : i32 to index
        %get3A_345 = arith.constant 0 : index
        %get3A_346 = tpu.vector_load %arg9[%get3A, %get3A_345] {strides = array<i32>} : memref<200x32xf32, #tpu.memory_space<vmem>>, vector<1x16xf32>,
        %get3A_347 = vector.shape_cast %get3A_346 : vector<1x16xf32> to vector<16xf32>
        %get3A_348 = arith.index_cast %scan3A_343 : i32 to index
        %get3A_349 = arith.constant 16 : index
        %get3A_350 = tpu.vector_load %arg9[%get3A_348, %get3A_349] {strides = array<i32>} : memref<200x32xf32, #tpu.memory_space<vmem>>, vector<1x16xf32>,
        %get3A_351 = vector.shape_cast %get3A_350 : vector<1x16xf32> to vector<16xf32>
        %add3A_352 = arith.constant 0 : i32
        %add3A_353 = arith.addi %add3A_352, %scan3A_343 : i32
        %get3A_354 = arith.index_cast %add3A_353 : i32 to index
        %get3A_355 = arith.constant 0 : index
        %get3A_356 = tpu.vector_load %arg7[%get3A_354, %get3A_355] {strides = array<i32>} : memref<1600x32xf32, #tpu.memory_space<vmem>>, vector<1x16xf32>,
        %get3A_357 = vector.shape_cast %get3A_356 : vector<1x16xf32> to vector<16xf32>
        %add3A_358 = arith.addf %get3A_357, %get3A_347 : vector<16xf32>
        %mul3A_359 = arith.constant 32 : i32
        %mul3A_360 = arith.muli %add3A_353, %mul3A_359 : i32
        %swap3A = arith.index_cast %mul3A_360 : i32 to index
        %swap3A_361 = tpu.vector_load %arg8[%swap3A] {strides = array<i32>} : memref<51200xf32, #tpu.memory_space<vmem>>, vector<16xf32>,
        %swap3A_362 = vector.shape_cast %swap3A_361 : vector<16xf32> to vector<16xf32>
        %swap3A_363 = vector.shape_cast %add3A_358 : vector<16xf32> to vector<16xf32>
        tpu.vector_store %arg8[%swap3A], %swap3A_363 {strides = array<i32>} : memref<51200xf32, #tpu.memory_space<vmem>>, vector<16xf32>,
        %get3A_364 = arith.index_cast %add3A_353 : i32 to index
        %get3A_365 = arith.constant 16 : index
        %get3A_366 = tpu.vector_load %arg7[%get3A_364, %get3A_365] {strides = array<i32>} : memref<1600x32xf32, #tpu.memory_space<vmem>>, vector<1x16xf32>,
        %get3A_367 = vector.shape_cast %get3A_366 : vector<1x16xf32> to vector<16xf32>
        %add3A_368 = arith.addf %get3A_367, %get3A_351 : vector<16xf32>
        %mul3A_369 = arith.constant 32 : i32
        %mul3A_370 = arith.muli %add3A_353, %mul3A_369 : i32
        %add3A_371 = arith.constant 16 : i32
        %add3A_372 = arith.addi %mul3A_370, %add3A_371 : i32
        %swap3A_373 = arith.index_cast %add3A_372 : i32 to index
        %swap3A_374 = tpu.vector_load %arg8[%swap3A_373] {strides = array<i32>} : memref<51200xf32, #tpu.memory_space<vmem>>, vector<16xf32>,
        %swap3A_375 = vector.shape_cast %swap3A_374 : vector<16xf32> to vector<16xf32>
        %swap3A_376 = vector.shape_cast %add3A_368 : vector<16xf32> to vector<16xf32>
        tpu.vector_store %arg8[%swap3A_373], %swap3A_376 {strides = array<i32>} : memref<51200xf32, #tpu.memory_space<vmem>>, vector<16xf32>,
        %add3A_377 = arith.constant 200 : i32
        %add3A_378 = arith.addi %add3A_377, %scan3A_343 : i32
        %get3A_379 = arith.index_cast %add3A_378 : i32 to index
        %get3A_380 = arith.constant 0 : index
        %get3A_381 = tpu.vector_load %arg7[%get3A_379, %get3A_380] {strides = array<i32>} : memref<1600x32xf32, #tpu.memory_space<vmem>>, vector<1x16xf32>,
        %get3A_382 = vector.shape_cast %get3A_381 : vector<1x16xf32> to vector<16xf32>
        %add3A_383 = arith.addf %get3A_382, %get3A_347 : vector<16xf32>
        %mul3A_384 = arith.constant 32 : i32
        %mul3A_385 = arith.muli %add3A_378, %mul3A_384 : i32
        %swap3A_386 = arith.index_cast %mul3A_385 : i32 to index
        %swap3A_387 = tpu.vector_load %arg8[%swap3A_386] {strides = array<i32>} : memref<51200xf32, #tpu.memory_space<vmem>>, vector<16xf32>,
        %swap3A_388 = vector.shape_cast %swap3A_387 : vector<16xf32> to vector<16xf32>
        %swap3A_389 = vector.shape_cast %add3A_383 : vector<16xf32> to vector<16xf32>
        tpu.vector_store %arg8[%swap3A_386], %swap3A_389 {strides = array<i32>} : memref<51200xf32, #tpu.memory_space<vmem>>, vector<16xf32>,
        %get3A_390 = arith.index_cast %add3A_378 : i32 to index
        %get3A_391 = arith.constant 16 : index
        %get3A_392 = tpu.vector_load %arg7[%get3A_390, %get3A_391] {strides = array<i32>} : memref<1600x32xf32, #tpu.memory_space<vmem>>, vector<1x16xf32>,
        %get3A_393 = vector.shape_cast %get3A_392 : vector<1x16xf32> to vector<16xf32>
        %add3A_394 = arith.addf %get3A_393, %get3A_351 : vector<16xf32>
        %mul3A_395 = arith.constant 32 : i32
        %mul3A_396 = arith.muli %add3A_378, %mul3A_395 : i32
        %add3A_397 = arith.constant 16 : i32
        %add3A_398 = arith.addi %mul3A_396, %add3A_397 : i32
        %swap3A_399 = arith.index_cast %add3A_398 : i32 to index
        %swap3A_400 = tpu.vector_load %arg8[%swap3A_399] {strides = array<i32>} : memref<51200xf32, #tpu.memory_space<vmem>>, vector<16xf32>,
        %swap3A_401 = vector.shape_cast %swap3A_400 : vector<16xf32> to vector<16xf32>
        %swap3A_402 = vector.shape_cast %add3A_394 : vector<16xf32> to vector<16xf32>
        tpu.vector_store %arg8[%swap3A_399], %swap3A_402 {strides = array<i32>} : memref<51200xf32, #tpu.memory_space<vmem>>, vector<16xf32>,
        %add3A_403 = arith.constant 400 : i32
        %add3A_404 = arith.addi %add3A_403, %scan3A_343 : i32
        %get3A_405 = arith.index_cast %add3A_404 : i32 to index
        %get3A_406 = arith.constant 0 : index
        %get3A_407 = tpu.vector_load %arg7[%get3A_405, %get3A_406] {strides = array<i32>} : memref<1600x32xf32, #tpu.memory_space<vmem>>, vector<1x16xf32>,
        %get3A_408 = vector.shape_cast %get3A_407 : vector<1x16xf32> to vector<16xf32>
        %add3A_409 = arith.addf %get3A_408, %get3A_347 : vector<16xf32>
        %mul3A_410 = arith.constant 32 : i32
        %mul3A_411 = arith.muli %add3A_404, %mul3A_410 : i32
        %swap3A_412 = arith.index_cast %mul3A_411 : i32 to index
        %swap3A_413 = tpu.vector_load %arg8[%swap3A_412] {strides = array<i32>} : memref<51200xf32, #tpu.memory_space<vmem>>, vector<16xf32>,
        %swap3A_414 = vector.shape_cast %swap3A_413 : vector<16xf32> to vector<16xf32>
        %swap3A_415 = vector.shape_cast %add3A_409 : vector<16xf32> to vector<16xf32>
        tpu.vector_store %arg8[%swap3A_412], %swap3A_415 {strides = array<i32>} : memref<51200xf32, #tpu.memory_space<vmem>>, vector<16xf32>,
        %get3A_416 = arith.index_cast %add3A_404 : i32 to index
        %get3A_417 = arith.constant 16 : index
        %get3A_418 = tpu.vector_load %arg7[%get3A_416, %get3A_417] {strides = array<i32>} : memref<1600x32xf32, #tpu.memory_space<vmem>>, vector<1x16xf32>,
        %get3A_419 = vector.shape_cast %get3A_418 : vector<1x16xf32> to vector<16xf32>
        %add3A_420 = arith.addf %get3A_419, %get3A_351 : vector<16xf32>
        %mul3A_421 = arith.constant 32 : i32
        %mul3A_422 = arith.muli %add3A_404, %mul3A_421 : i32
        %add3A_423 = arith.constant 16 : i32
        %add3A_424 = arith.addi %mul3A_422, %add3A_423 : i32
        %swap3A_425 = arith.index_cast %add3A_424 : i32 to index
        %swap3A_426 = tpu.vector_load %arg8[%swap3A_425] {strides = array<i32>} : memref<51200xf32, #tpu.memory_space<vmem>>, vector<16xf32>,
        %swap3A_427 = vector.shape_cast %swap3A_426 : vector<16xf32> to vector<16xf32>
        %swap3A_428 = vector.shape_cast %add3A_420 : vector<16xf32> to vector<16xf32>
        tpu.vector_store %arg8[%swap3A_425], %swap3A_428 {strides = array<i32>} : memref<51200xf32, #tpu.memory_space<vmem>>, vector<16xf32>,
        %add3A_429 = arith.constant 600 : i32
        %add3A_430 = arith.addi %add3A_429, %scan3A_343 : i32
        %get3A_431 = arith.index_cast %add3A_430 : i32 to index
        %get3A_432 = arith.constant 0 : index
        %get3A_433 = tpu.vector_load %arg7[%get3A_431, %get3A_432] {strides = array<i32>} : memref<1600x32xf32, #tpu.memory_space<vmem>>, vector<1x16xf32>,
        %get3A_434 = vector.shape_cast %get3A_433 : vector<1x16xf32> to vector<16xf32>
        %add3A_435 = arith.addf %get3A_434, %get3A_347 : vector<16xf32>
        %mul3A_436 = arith.constant 32 : i32
        %mul3A_437 = arith.muli %add3A_430, %mul3A_436 : i32
        %swap3A_438 = arith.index_cast %mul3A_437 : i32 to index
        %swap3A_439 = tpu.vector_load %arg8[%swap3A_438] {strides = array<i32>} : memref<51200xf32, #tpu.memory_space<vmem>>, vector<16xf32>,
        %swap3A_440 = vector.shape_cast %swap3A_439 : vector<16xf32> to vector<16xf32>
        %swap3A_441 = vector.shape_cast %add3A_435 : vector<16xf32> to vector<16xf32>
        tpu.vector_store %arg8[%swap3A_438], %swap3A_441 {strides = array<i32>} : memref<51200xf32, #tpu.memory_space<vmem>>, vector<16xf32>,
        %get3A_442 = arith.index_cast %add3A_430 : i32 to index
        %get3A_443 = arith.constant 16 : index
        %get3A_444 = tpu.vector_load %arg7[%get3A_442, %get3A_443] {strides = array<i32>} : memref<1600x32xf32, #tpu.memory_space<vmem>>, vector<1x16xf32>,
        %get3A_445 = vector.shape_cast %get3A_444 : vector<1x16xf32> to vector<16xf32>
        %add3A_446 = arith.addf %get3A_445, %get3A_351 : vector<16xf32>
        %mul3A_447 = arith.constant 32 : i32
        %mul3A_448 = arith.muli %add3A_430, %mul3A_447 : i32
        %add3A_449 = arith.constant 16 : i32
        %add3A_450 = arith.addi %mul3A_448, %add3A_449 : i32
        %swap3A_451 = arith.index_cast %add3A_450 : i32 to index
        %swap3A_452 = tpu.vector_load %arg8[%swap3A_451] {strides = array<i32>} : memref<51200xf32, #tpu.memory_space<vmem>>, vector<16xf32>,
        %swap3A_453 = vector.shape_cast %swap3A_452 : vector<16xf32> to vector<16xf32>
        %swap3A_454 = vector.shape_cast %add3A_446 : vector<16xf32> to vector<16xf32>
        tpu.vector_store %arg8[%swap3A_451], %swap3A_454 {strides = array<i32>} : memref<51200xf32, #tpu.memory_space<vmem>>, vector<16xf32>,
        %add3A_455 = arith.constant 800 : i32
        %add3A_456 = arith.addi %add3A_455, %scan3A_343 : i32
        %get3A_457 = arith.index_cast %add3A_456 : i32 to index
        %get3A_458 = arith.constant 0 : index
        %get3A_459 = tpu.vector_load %arg7[%get3A_457, %get3A_458] {strides = array<i32>} : memref<1600x32xf32, #tpu.memory_space<vmem>>, vector<1x16xf32>,
        %get3A_460 = vector.shape_cast %get3A_459 : vector<1x16xf32> to vector<16xf32>
        %add3A_461 = arith.addf %get3A_460, %get3A_347 : vector<16xf32>
        %mul3A_462 = arith.constant 32 : i32
        %mul3A_463 = arith.muli %add3A_456, %mul3A_462 : i32
        %swap3A_464 = arith.index_cast %mul3A_463 : i32 to index
        %swap3A_465 = tpu.vector_load %arg8[%swap3A_464] {strides = array<i32>} : memref<51200xf32, #tpu.memory_space<vmem>>, vector<16xf32>,
        %swap3A_466 = vector.shape_cast %swap3A_465 : vector<16xf32> to vector<16xf32>
        %swap3A_467 = vector.shape_cast %add3A_461 : vector<16xf32> to vector<16xf32>
        tpu.vector_store %arg8[%swap3A_464], %swap3A_467 {strides = array<i32>} : memref<51200xf32, #tpu.memory_space<vmem>>, vector<16xf32>,
        %get3A_468 = arith.index_cast %add3A_456 : i32 to index
        %get3A_469 = arith.constant 16 : index
        %get3A_470 = tpu.vector_load %arg7[%get3A_468, %get3A_469] {strides = array<i32>} : memref<1600x32xf32, #tpu.memory_space<vmem>>, vector<1x16xf32>,
        %get3A_471 = vector.shape_cast %get3A_470 : vector<1x16xf32> to vector<16xf32>
        %add3A_472 = arith.addf %get3A_471, %get3A_351 : vector<16xf32>
        %mul3A_473 = arith.constant 32 : i32
        %mul3A_474 = arith.muli %add3A_456, %mul3A_473 : i32
        %add3A_475 = arith.constant 16 : i32
        %add3A_476 = arith.addi %mul3A_474, %add3A_475 : i32
        %swap3A_477 = arith.index_cast %add3A_476 : i32 to index
        %swap3A_478 = tpu.vector_load %arg8[%swap3A_477] {strides = array<i32>} : memref<51200xf32, #tpu.memory_space<vmem>>, vector<16xf32>,
        %swap3A_479 = vector.shape_cast %swap3A_478 : vector<16xf32> to vector<16xf32>
        %swap3A_480 = vector.shape_cast %add3A_472 : vector<16xf32> to vector<16xf32>
        tpu.vector_store %arg8[%swap3A_477], %swap3A_480 {strides = array<i32>} : memref<51200xf32, #tpu.memory_space<vmem>>, vector<16xf32>,
        %add3A_481 = arith.constant 1000 : i32
        %add3A_482 = arith.addi %add3A_481, %scan3A_343 : i32
        %get3A_483 = arith.index_cast %add3A_482 : i32 to index
        %get3A_484 = arith.constant 0 : index
        %get3A_485 = tpu.vector_load %arg7[%get3A_483, %get3A_484] {strides = array<i32>} : memref<1600x32xf32, #tpu.memory_space<vmem>>, vector<1x16xf32>,
        %get3A_486 = vector.shape_cast %get3A_485 : vector<1x16xf32> to vector<16xf32>
        %add3A_487 = arith.addf %get3A_486, %get3A_347 : vector<16xf32>
        %mul3A_488 = arith.constant 32 : i32
        %mul3A_489 = arith.muli %add3A_482, %mul3A_488 : i32
        %swap3A_490 = arith.index_cast %mul3A_489 : i32 to index
        %swap3A_491 = tpu.vector_load %arg8[%swap3A_490] {strides = array<i32>} : memref<51200xf32, #tpu.memory_space<vmem>>, vector<16xf32>,
        %swap3A_492 = vector.shape_cast %swap3A_491 : vector<16xf32> to vector<16xf32>
        %swap3A_493 = vector.shape_cast %add3A_487 : vector<16xf32> to vector<16xf32>
        tpu.vector_store %arg8[%swap3A_490], %swap3A_493 {strides = array<i32>} : memref<51200xf32, #tpu.memory_space<vmem>>, vector<16xf32>,
        %get3A_494 = arith.index_cast %add3A_482 : i32 to index
        %get3A_495 = arith.constant 16 : index
        %get3A_496 = tpu.vector_load %arg7[%get3A_494, %get3A_495] {strides = array<i32>} : memref<1600x32xf32, #tpu.memory_space<vmem>>, vector<1x16xf32>,
        %get3A_497 = vector.shape_cast %get3A_496 : vector<1x16xf32> to vector<16xf32>
        %add3A_498 = arith.addf %get3A_497, %get3A_351 : vector<16xf32>
        %mul3A_499 = arith.constant 32 : i32
        %mul3A_500 = arith.muli %add3A_482, %mul3A_499 : i32
        %add3A_501 = arith.constant 16 : i32
        %add3A_502 = arith.addi %mul3A_500, %add3A_501 : i32
        %swap3A_503 = arith.index_cast %add3A_502 : i32 to index
        %swap3A_504 = tpu.vector_load %arg8[%swap3A_503] {strides = array<i32>} : memref<51200xf32, #tpu.memory_space<vmem>>, vector<16xf32>,
        %swap3A_505 = vector.shape_cast %swap3A_504 : vector<16xf32> to vector<16xf32>
        %swap3A_506 = vector.shape_cast %add3A_498 : vector<16xf32> to vector<16xf32>
        tpu.vector_store %arg8[%swap3A_503], %swap3A_506 {strides = array<i32>} : memref<51200xf32, #tpu.memory_space<vmem>>, vector<16xf32>,
        %add3A_507 = arith.constant 1200 : i32
        %add3A_508 = arith.addi %add3A_507, %scan3A_343 : i32
        %get3A_509 = arith.index_cast %add3A_508 : i32 to index
        %get3A_510 = arith.constant 0 : index
        %get3A_511 = tpu.vector_load %arg7[%get3A_509, %get3A_510] {strides = array<i32>} : memref<1600x32xf32, #tpu.memory_space<vmem>>, vector<1x16xf32>,
        %get3A_512 = vector.shape_cast %get3A_511 : vector<1x16xf32> to vector<16xf32>
        %add3A_513 = arith.addf %get3A_512, %get3A_347 : vector<16xf32>
        %mul3A_514 = arith.constant 32 : i32
        %mul3A_515 = arith.muli %add3A_508, %mul3A_514 : i32
        %swap3A_516 = arith.index_cast %mul3A_515 : i32 to index
        %swap3A_517 = tpu.vector_load %arg8[%swap3A_516] {strides = array<i32>} : memref<51200xf32, #tpu.memory_space<vmem>>, vector<16xf32>,
        %swap3A_518 = vector.shape_cast %swap3A_517 : vector<16xf32> to vector<16xf32>
        %swap3A_519 = vector.shape_cast %add3A_513 : vector<16xf32> to vector<16xf32>
        tpu.vector_store %arg8[%swap3A_516], %swap3A_519 {strides = array<i32>} : memref<51200xf32, #tpu.memory_space<vmem>>, vector<16xf32>,
        %get3A_520 = arith.index_cast %add3A_508 : i32 to index
        %get3A_521 = arith.constant 16 : index
        %get3A_522 = tpu.vector_load %arg7[%get3A_520, %get3A_521] {strides = array<i32>} : memref<1600x32xf32, #tpu.memory_space<vmem>>, vector<1x16xf32>,
        %get3A_523 = vector.shape_cast %get3A_522 : vector<1x16xf32> to vector<16xf32>
        %add3A_524 = arith.addf %get3A_523, %get3A_351 : vector<16xf32>
        %mul3A_525 = arith.constant 32 : i32
        %mul3A_526 = arith.muli %add3A_508, %mul3A_525 : i32
        %add3A_527 = arith.constant 16 : i32
        %add3A_528 = arith.addi %mul3A_526, %add3A_527 : i32
        %swap3A_529 = arith.index_cast %add3A_528 : i32 to index
        %swap3A_530 = tpu.vector_load %arg8[%swap3A_529] {strides = array<i32>} : memref<51200xf32, #tpu.memory_space<vmem>>, vector<16xf32>,
        %swap3A_531 = vector.shape_cast %swap3A_530 : vector<16xf32> to vector<16xf32>
        %swap3A_532 = vector.shape_cast %add3A_524 : vector<16xf32> to vector<16xf32>
        tpu.vector_store %arg8[%swap3A_529], %swap3A_532 {strides = array<i32>} : memref<51200xf32, #tpu.memory_space<vmem>>, vector<16xf32>,
        %add3A_533 = arith.constant 1400 : i32
        %add3A_534 = arith.addi %add3A_533, %scan3A_343 : i32
        %get3A_535 = arith.index_cast %add3A_534 : i32 to index
        %get3A_536 = arith.constant 0 : index
        %get3A_537 = tpu.vector_load %arg7[%get3A_535, %get3A_536] {strides = array<i32>} : memref<1600x32xf32, #tpu.memory_space<vmem>>, vector<1x16xf32>,
        %get3A_538 = vector.shape_cast %get3A_537 : vector<1x16xf32> to vector<16xf32>
        %add3A_539 = arith.addf %get3A_538, %get3A_347 : vector<16xf32>
        %mul3A_540 = arith.constant 32 : i32
        %mul3A_541 = arith.muli %add3A_534, %mul3A_540 : i32
        %swap3A_542 = arith.index_cast %mul3A_541 : i32 to index
        %swap3A_543 = tpu.vector_load %arg8[%swap3A_542] {strides = array<i32>} : memref<51200xf32, #tpu.memory_space<vmem>>, vector<16xf32>,
        %swap3A_544 = vector.shape_cast %swap3A_543 : vector<16xf32> to vector<16xf32>
        %swap3A_545 = vector.shape_cast %add3A_539 : vector<16xf32> to vector<16xf32>
        tpu.vector_store %arg8[%swap3A_542], %swap3A_545 {strides = array<i32>} : memref<51200xf32, #tpu.memory_space<vmem>>, vector<16xf32>,
        %get3A_546 = arith.index_cast %add3A_534 : i32 to index
        %get3A_547 = arith.constant 16 : index
        %get3A_548 = tpu.vector_load %arg7[%get3A_546, %get3A_547] {strides = array<i32>} : memref<1600x32xf32, #tpu.memory_space<vmem>>, vector<1x16xf32>,
        %get3A_549 = vector.shape_cast %get3A_548 : vector<1x16xf32> to vector<16xf32>
        %add3A_550 = arith.addf %get3A_549, %get3A_351 : vector<16xf32>
        %mul3A_551 = arith.constant 32 : i32
        %mul3A_552 = arith.muli %add3A_534, %mul3A_551 : i32
        %add3A_553 = arith.constant 16 : i32
        %add3A_554 = arith.addi %mul3A_552, %add3A_553 : i32
        %swap3A_555 = arith.index_cast %add3A_554 : i32 to index
        %swap3A_556 = tpu.vector_load %arg8[%swap3A_555] {strides = array<i32>} : memref<51200xf32, #tpu.memory_space<vmem>>, vector<16xf32>,
        %swap3A_557 = vector.shape_cast %swap3A_556 : vector<16xf32> to vector<16xf32>
        %swap3A_558 = vector.shape_cast %add3A_550 : vector<16xf32> to vector<16xf32>
        tpu.vector_store %arg8[%swap3A_555], %swap3A_558 {strides = array<i32>} : memref<51200xf32, #tpu.memory_space<vmem>>, vector<16xf32>,
        %scan3A_559 = arith.constant 0 : i32
        scf.yield %scan3A_559 : i32
      }
      %scan3A_339 = arith.constant 200 : i32
      %mul3A_340 = arith.constant 32 : i32
      %mul3A_341 = arith.muli %multiple_of3A_14, %mul3A_340 : i32
      "tpu.region"() ({
        %run_scoped3A = tpu.sem_alloc : memref<!tpu.dma_semaphore, #tpu.memory_space<semaphore_mem>>
        %dma_start3A_343 = tpu.memref_slice %arg5[%mul3A_341] : memref<26214400xf32, #tpu.memory_space<hbm>> -> memref<51200xf32, #tpu.memory_space<hbm>>
        %dma_start3A_344 = tpu.memref_slice %arg5[%mul3A_341] : memref<26214400xf32, #tpu.memory_space<hbm>> -> memref<51200xf32, #tpu.memory_space<hbm>>
        tpu.enqueue_dma source(%arg8 : memref<51200xf32, #tpu.memory_space<vmem>>) target(%dma_start3A_344 : memref<51200xf32, #tpu.memory_space<hbm>>) target_semaphore(%run_scoped3A : memref<!tpu.dma_semaphore, #tpu.memory_space<semaphore_mem>>)
        %dma_wait3A_345 = tpu.memref_slice %arg5[%mul3A_341] : memref<26214400xf32, #tpu.memory_space<hbm>> -> memref<51200xf32, #tpu.memory_space<hbm>>
        %dma_wait3A_346 = tpu.memref_slice %arg5[%mul3A_341] : memref<26214400xf32, #tpu.memory_space<hbm>> -> memref<51200xf32, #tpu.memory_space<hbm>>
        tpu.wait_dma2 semaphore(%run_scoped3A : memref<!tpu.dma_semaphore, #tpu.memory_space<semaphore_mem>>) src(%arg8 : memref<51200xf32, #tpu.memory_space<vmem>>) dst(%dma_wait3A_346 : memref<51200xf32, #tpu.memory_space<hbm>>)
        tpu.yield
      }) : () -> ()
      %scan3A_342 = arith.constant 0 : i32
      scf.yield %scan3A_342 : i32
    }
    %scan3A_8 = arith.constant 16 : i32
    return
  }
}

</mosaic_0001>

<sc_bundles>
// kernel: _run.4.cloned.1.call-start
scs
__scs_entry_jumppad:
0x0: {  	(pc) =	sbr.rel $0x88, $3  }
0x1: {  	(tag) =	ssettag $0x0;
	lr =	simm.s32 $0x1  }
0x2: {  	[smem:$0x3F9E] =	sst lr;
	_ =	strace $0xD0000000  }
0x3: {  	_ = 	snop  }
0x4: {  	_ = 	snop  }
0x5: {  	_ = 	snop  }
0x6: {  	_ = 	snop  }
0x7: {  	_ = 	snop  }
__scs_overlays_trampoline_lowered:
0x8: {  	[smem:$0x3FAD] =	sst s0  }
0x9: {  	[smem:$0x3FAE] =	sst s1  }
0xa: {  	[smem:$0x3FAF] =	sst s2  }
0xb: {  	[smem:$0x3FB0] =	sst s3  }
0xc: {  	[smem:$0x3FB1] =	sst s4  }
0xd: {  	[smem:$0x3FB2] =	sst s5  }
0xe: {  	[smem:$0x3FB3] =	sst s6  }
0xf: {  	[smem:$0x3FB4] =	sst s7  }
0x10: {  	[smem:$0x3FB5] =	sst s8  }
0x11: {  	[smem:$0x3FB6] =	sst s9;
	s0 =	simm.s32 @!p0 $0x0  }
0x12: {  	s1 =	sld [smem:$0x3F9C];
	s0 =	simm.s32 @p0 $0x1  }
0x13: {  	[smem:$0x3FB7] =	sst s0;
	s0 =	simm.s32 @!p1 $0x0  }
0x14: {  	s2 =	sld [smem:$0x3F9B];
	s0 =	simm.s32 @p1 $0x1  }
0x15: {  	[smem:$0x3FB8] =	sst s0;
	s0 =	simm.s32 @!p2 $0x0  }
0x16: {  	s3 =	sld [smem:$0x3FDB];
	s0 =	simm.s32 @p2 $0x1  }
0x17: {  	s4 =	simm.s32 $0x1BF5;
	[smem:$0x3FBA] =	sst s0  }
0x18: {  	s0 =	sld [smem:$0x3F9D];
	_ =	swait.ge [sflag:s4], $0x0  }
0x19: {  	s7 =	sld [smem:$0x3F9E]  }
0x1a: {  	s8 =	sadd.s32 $0xFFFFE003, lr  }
0x1b: {  	s9 =	sadd.s32 $0xFFFFFEF7, lr;
	s5 =	simm.s32 $0xFFFFFFFF;
	p2 =	slt.u32 s8, $0xFFFFF086  }
0x1c: {  	p1 =	slt.u32 s9, $0xF7A;
	s5 =	simm.s32 @!p2 $0x0  }
0x1d: {  	s5 =	simm.s32 @p1 $0x1;
	p0 =	seq.s32 s7, s2  }
0x1e: {  	s7 =	smul.u32 @!p0 $0xF7A, s2;
	p2 =	seq.s32 @!p0 s5, $0x0  }
0x1f: {  	s9 =	smul.u32 $0xF7A, s1;
	s8 =	simm.s32 @!p0 $0x1BF5;
	p2 =	por !p2, p0  }
0x20: {  	[sflag:s8] =	ssyncset.s32 @!p0 $0xFFFFF086;
	s6 =	sadd.s32 @!p0 s3, s7;
	s7 =	simm.s32 @!p0 $0x108  }
0x21: {  	s3 =	sadd.s32 s3, s9;
	s6 =	sadd.s32 @!p0 $0x88, s6;
	s7 =	simm.s32 @p2 $0x1082  }
0x22: {  	[simem:s7], [sflag:s8] =	dma.local @!p0 [hbm:s6], $0xF7A  }
0x23: {  	s9 =	sor.u32 $0xD0000000, s2;
	s6 =	simm.s32 $0x108;
	_ =	swait.ge @!p0 [sflag:s8], $0x0  }
0x24: {  	s3 =	sadd.s32 $0x88, s3;
	s6 =	simm.s32 @!p1 $0x1082;
	[sflag:s4] =	ssyncset.s32 $0xFFFFF086  }
0x25: {  	[simem:s6], [sflag:s4] =	dma.local [hbm:s3], $0xF7A  }
0x26: {  	[smem:$0x3F9E] =	sst s1;
	(tag) =	ssettag s2;
	_ =	strace s9  }
0x27: {  	s1 =	sld [smem:$0x3FAE]  }
0x28: {  	s2 =	sld [smem:$0x3FAF]  }
0x29: {  	s4 =	sld [smem:$0x3FB1]  }
0x2a: {  	p0 =	seq.s32 s5, $0x0;
	s5 =	sld [smem:$0x3FB2]  }
0x2b: {  	s6 =	sld [smem:$0x3FB3]  }
0x2c: {  	s7 =	sld [smem:$0x3FB4]  }
0x2d: {  	s3 =	simm.s32 $0x108;
	s8 =	sld [smem:$0x3FB5]  }
0x2e: {  	s3 =	simm.s32 @!p0 $0x1082;
	s9 =	sld [smem:$0x3FB6]  }
0x2f: {  	lr =	sadd.s32 s0, s3;
	s0 =	sld [smem:$0x3FAD]  }
0x30: {  	s3 =	sld [smem:$0x3FB0]  }
0x31: {  	[smem:$0x3FB9] =	sst s10  }
0x32: {  	s10 =	sld [smem:$0x3FB7];
	_ =	sdelay $0x3  }
0x33: {  	p0 =	seq.s32 s10, $0x1;
	s10 =	sld [smem:$0x3FB9];
	_ =	sdelay $0x3  }
0x34: {  	[smem:$0x3FB9] =	sst s10  }
0x35: {  	s10 =	sld [smem:$0x3FB8];
	_ =	sdelay $0x3  }
0x36: {  	p1 =	seq.s32 s10, $0x1;
	s10 =	sld [smem:$0x3FB9];
	_ =	sdelay $0x3  }
0x37: {  	[smem:$0x3FB9] =	sst s10  }
0x38: {  	s10 =	sld [smem:$0x3FBA]  }
0x39: {  	_ = 	snop;
	(pc) =	sbr.ind lr, $3  }
0x3a: {  	_ = 	snop  }
0x3b: {  	_ = 	snop  }
0x3c: {  	p2 =	seq.s32 s10, $0x1;
	s10 =	sld [smem:$0x3FB9]  }
0x3d: {  	_ =	shalt  }
0x3e: {  	_ =	shalt  }
0x3f: {  	_ =	shalt  }
0x40: {  	_ =	shalt  }
0x41: {  	_ =	shalt  }
0x42: {  	_ =	shalt  }
0x43: {  	_ =	shalt  }
0x44: {  	_ =	shalt  }
0x45: {  	_ =	shalt  }
0x46: {  	_ =	shalt  }
0x47: {  	_ =	shalt  }
0x48: {  	_ =	shalt  }
0x49: {  	_ =	shalt  }
0x4a: {  	_ =	shalt  }
0x4b: {  	_ =	shalt  }
0x4c: {  	_ =	shalt  }
0x4d: {  	_ =	shalt  }
0x4e: {  	_ =	shalt  }
0x4f: {  	_ =	shalt  }
0x50: {  	_ =	shalt  }
0x51: {  	_ =	shalt  }
0x52: {  	_ =	shalt  }
0x53: {  	_ =	shalt  }
0x54: {  	_ =	shalt  }
0x55: {  	_ =	shalt  }
0x56: {  	_ =	shalt  }
0x57: {  	_ =	shalt  }
0x58: {  	_ =	shalt  }
0x59: {  	_ =	shalt  }
0x5a: {  	_ =	shalt  }
0x5b: {  	_ =	shalt  }
0x5c: {  	_ =	shalt  }
0x5d: {  	_ =	shalt  }
0x5e: {  	_ =	shalt  }
0x5f: {  	_ =	shalt  }
0x60: {  	_ =	shalt  }
0x61: {  	_ =	shalt  }
0x62: {  	_ =	shalt  }
0x63: {  	_ =	shalt  }
0x64: {  	_ =	shalt  }
0x65: {  	_ =	shalt  }
0x66: {  	_ =	shalt  }
0x67: {  	_ =	shalt  }
0x68: {  	_ =	shalt  }
0x69: {  	_ =	shalt  }
0x6a: {  	_ =	shalt  }
0x6b: {  	_ =	shalt  }
0x6c: {  	_ =	shalt  }
0x6d: {  	_ =	shalt  }
0x6e: {  	_ =	shalt  }
0x6f: {  	_ =	shalt  }
0x70: {  	_ =	shalt  }
0x71: {  	_ =	shalt  }
0x72: {  	_ =	shalt  }
0x73: {  	_ =	shalt  }
0x74: {  	_ =	shalt  }
0x75: {  	_ =	shalt  }
0x76: {  	_ =	shalt  }
0x77: {  	_ =	shalt  }
0x78: {  	_ =	shalt  }
0x79: {  	_ =	shalt  }
0x7a: {  	_ =	shalt  }
0x7b: {  	_ =	shalt  }
0x7c: {  	_ =	shalt  }
0x7d: {  	_ =	shalt  }
0x7e: {  	_ =	shalt  }
0x7f: {  	_ =	shalt  }
0x80: {  	_ =	shalt  }
0x81: {  	_ =	shalt  }
0x82: {  	_ =	shalt  }
0x83: {  	_ =	shalt  }
0x84: {  	_ =	shalt  }
0x85: {  	_ =	shalt  }
0x86: {  	_ =	shalt  }
0x87: {  	_ =	shalt  }
.Lfunc_end0:
.L_simem_size_0:
called_computation.1_lowered:
.L_overlay_start_0:
0x88: {  	s2 =	sld [smem:$0x3FD9]  }
0x89: {  	s3 =	sld [smem:$0x3FFE];
	_ =	sdelay $0x1  }
0x8a: {  	s1 =	srdreg.scid  }
0x8b: {  	s0 =	sand.u32 $0x1, s1  }
0x8c: {  	s17 =	sshll.u32 s0, $0xA;
	s2 =	sadd.s32 s3, s2  }
0x8d: {  	s2 =	sadd.s32 s2, s17  }
0x8e: {  	[smem:$0x3FC5] =	sst s2  }
0x8f: {  	_ = 	snop  }
0x90: {  	s2 =	sld [smem:$0x3FD0];
	(tm) =	ssettm $0x1  }
0x91: {  	s18 =	sld [smem:$0x3FFB];
	_ =	sdelay $0x3  }
0x92: {  	_ =	strace s18  }
0x93: {  	s3 =	sld [smem:$0x3FFC];
	_ =	sdelay $0x3  }
0x94: {  	_ =	strace s3  }
0x95: {  	s3 =	sld [smem:$0x3FFD];
	_ =	sdelay $0x3  }
0x96: {  	_ =	strace s3  }
0x97: {  	_ =	strace $0x8FFFFFFF  }
0x98: {  	s19 =	sld [smem:$0x3FDB];
	_ =	sdelay $0x1  }
0x99: {  	s4 =	simm.s32 $_scs_section_size  }
0x9a: {  	s5 =	simm.s32 $_size__tile_overlayer_lowered;
	s6 =	simm.s32 $_tile_overlayer_lowered  }
0x9b: {  	s22 =	simm.s32 $0x1BFF;
	s21 =	sshll.u32 s6, $0x1;
	s3 =	sadd.s32 s4, s19  }
0x9c: {  	s7 =	simm.s32 $0x0;
	s20 =	sshll.u32 s5, $0x1;
	s5 =	sadd.s32 s21, s3  }
0x9d: {  	[timem:s7], [sflag:s22] =	dma.local [hbm:s5], s20  }
0x9e: {  	_ =	swait.ge [sflag:s22], s20  }
0x9f: {  	s4 =	ssub.s32 $0x0, s20;
	[sflag:s22] =	ssyncset.done $0x0  }
0xa0: {  	[sflag:s22] =	ssyncadd.s32 s4;
	_ =	sdelay $0x1  }
0xa1: {  	s23 =	simm.s32 $0x1B8B  }
0xa2: {  	_ =	swait.ge [sflag:s23], $0x1  }
0xa3: {  	[sflag:s23] =	ssyncset.done $0x0  }
0xa4: {  	s25 =	simm.s32 $0x1B8E;
	s24 =	sld [smem:$0x3FFE];
	[sflag:s23] =	ssyncadd.s32 $0xFFFFFFFF  }
0xa5: {  	s26 =	simm.s32 $execute0_lowered;
	[smem:$0x3FD2] =	sst s25  }
0xa6: {  	s5 =	sshll.u32 s26, $0x1;
	_ =	strace $0x80000046;
	[dreg:$0x1] =	wrdreg $0xFFFFFFFF  }
0xa7: {  	s28 =	simm.s32 $_size_execute0_lowered;
	s3 =	sadd.s32 s3, s5;
	[dreg:$0x0] =	wrdreg $0x0  }
0xa8: {  	s5 =	sshll.u32 s28, $0x1;
	[dreg:$0x2] =	wrdreg s3  }
0xa9: {  	[dreg:$0x3] =	wrdreg s5  }
0xaa: {  	[dreg:$0x4] =	wrdreg $0xC0  }
0xab: {  	_ =	task [dreg:s7], $0x5FFFF  }
0xac: {  	[dreg:$0x1] =	wrdreg $0xFFFFFFFF  }
0xad: {  	[dreg:$0x0] =	wrdreg $0x60  }
0xae: {  	[dreg:$0x2] =	wrdreg s2  }
0xaf: {  	[dreg:$0x3] =	wrdreg s24  }
0xb0: {  	[dreg:$0x4] =	wrdreg $0x9  }
0xb1: {  	_ =	task.clear_ibuf [dreg:s7], $0x5FFFF;
	_ =	strace $0x90000046  }
0xb2: {  	s29 =	simm.s32 $0x9;
	_ =	strace $0x80000048  }
0xb3: {  	_ =	swait.ge [sflag:s29], $0x1  }
0xb4: {  	[sflag:s29] =	ssyncadd.s32 $0xFFFFFFFF  }
0xb5: {  	_ =	strace $0x90000048  }
0xb6: {  	_ =	sfence  }
0xb7: {  	s30 =	sld [smem:$0x0];
	_ =	sdelay $0x2  }
0xb8: {  	s31 =	sshll.u32 s1, $0xD;
	s1 =	sshrl.u32 s1, $0x2  }
0xb9: {  	s3 =	sand.u32 $0x4000, s31;
	s1 =	sadd.s32 s1, s30  }
0xba: {  	s0 =	sor.u32 s3, s0;
	s1 =	sshll.u32 s1, $0x11  }
0xbb: {  	s0 =	sor.u32 s1, s0  }
0xbc: {  	s0 =	sadd.s32 $0x8F2B, s0  }
0xbd: {  	[sflag:s0] =	ssyncadd.remote.s32 $0x1  }
0xbe: {  	_ =	sfence.sel $0xFFFF  }
0xbf: {  	[dreg:$0x0] =	wrdreg $0xFFFFFFFF;
	(pc) =	sbr.abs _section_cstart, $3  }
0xc0: {  	[dreg:$0x1] =	wrdreg $0xFFFFFFFF  }
0xc1: {  	_ =	task.clear_ibuf [dreg:s7], $0x2FFFF;
	_ =	strace $0x9FFFFFFF  }
0xc2: {  	(tm) =	ssettm $0x7FFFFFFF  }
0xc3: {  	_ =	shalt  }
tec
execute0_lowered:
.L_overlay_start_1:
0x0: {  	(tag) =	ssettag $0x1  }
0x1: {  	s3 =	rddreg [dreg:$0x0];
	s1 =	srdreg.scid  }
0x2: {  	s0 =	stileid.u32;
	s4 =	rddreg [dreg:$0x1];
	v0 =	vimm.s32 $0xFEDCBA98;
	s2 =	simm.s32 $0x0  }
0x3: {  	v1 =	vimm.s32 $0x76543210;
	s5 =	sand.u32 $0x1, s1;
	s6 =	sshll.u32 s0, $0x1;
	s1 =	rddreg [dreg:$0x2];
	v0 =	vunpack.c.l.s4.s8 v0  }
0x4: {  	[smem:$0x7FF] =	sst s2;
	v1 =	vunpack.c.l.s4.s8 v1;
	s6 =	sor.u32 s5, s6;
	s5 =	ssub.s32 $0x2, s5  }
0x5: {  	s7 =	smul.u32 $0xC80, s6;
	s8 =	sshrl.u32 s5, $0x1;
	v0 =	vunpack.c.0.s8.s32 v0;
	s6 =	sshll.u32 s6, $0xC  }
0x6: {  	_ =	strace $0x80000047;
	v1 =	vunpack.c.0.s8.s32 v1;
	s5 =	ssub.s32 s5, s8;
	s3 =	sadd.s32 s3, s6  }
0x7: {  	s6 =	simm.s32 $0x1;
	s8 =	simm.s32 $0x0;
	s4 =	sadd.s32 s7, s4;
	v0 =	vand.u32 $0xF, v0  }
0x8: {  	vm0 =	vmmov $0xff;
	s5 =	smax.u32 s5, $0x1;
	s7 =	simm.s32 $0x8000;
	s4 =	sadd.s32 $0xE00, s4;
	v0 =	vcombine.low v0, v1  }
.LBB2_1:
0x9: {  	[tilespmem:s2], [sflag:$0x1] =	stream.linear.gather [hbm4b:s3+s2], $0x8000, $0x38;
	[tilespmem:$0xE400] =	vst v63  }
0xa: {  	_ =	swait.ge [sflag:s6], $0x8000  }
0xb: {  	s9 =	sand.u32 $0x7800, s2;
	s10 =	sand.u32 $0x380, s2;
	[sflag:s6] =	ssyncset.done $0x0  }
0xc: {  	s10 =	sor.u32 s10, s9;
	[sflag:s6] =	ssyncadd.s32 $0xFFFF8000  }
0xd: {  	v1 =	vld [tilespmem:s10+$0x0];
	_ =	sdelay $0x3  }
0xe: {  	s9 =	simm.s32 $0x8060  }
0xf: {  	[tilespmem:s9+$0xFFFFFFA0] =	vst v1  }
0x10: {  	v1 =	vld [tilespmem:s10+$0x10];
	_ =	sdelay $0x4  }
0x11: {  	[tilespmem:s9+$0xFFFFFFB0] =	vst v1  }
0x12: {  	v1 =	vld [tilespmem:s10+$0x20];
	_ =	sdelay $0x4  }
0x13: {  	[tilespmem:s9+$0xFFFFFFC0] =	vst v1  }
0x14: {  	v1 =	vld [tilespmem:s10+$0x30];
	_ =	sdelay $0x4  }
0x15: {  	[tilespmem:s9+$0xFFFFFFD0] =	vst v1  }
0x16: {  	v1 =	vld [tilespmem:s10+$0x40];
	_ =	sdelay $0x4  }
0x17: {  	[tilespmem:s9+$0xFFFFFFE0] =	vst v1  }
0x18: {  	v1 =	vld [tilespmem:s10+$0x50];
	_ =	sdelay $0x4  }
0x19: {  	[tilespmem:s9+$0xFFFFFFF0] =	vst v1  }
0x1a: {  	v1 =	vld [tilespmem:s10+$0x60];
	_ =	sdelay $0x4  }
0x1b: {  	[tilespmem:s9+$0x0] =	vst v1  }
0x1c: {  	v1 =	vld [tilespmem:s10+$0x70];
	_ =	sdelay $0x4  }
0x1d: {  	[tilespmem:s9+$0x10] =	vst v1  }
0x1e: {  	v1 =	vld [tilespmem:s10+$0x400];
	_ =	sdelay $0x3  }
0x1f: {  	s11 =	sand.u32 $0x7FF8, s2  }
0x20: {  	[tilespmem:s11+$0x8080] =	vst v1  }
0x21: {  	v1 =	vld [tilespmem:s10+$0x410];
	_ =	sdelay $0x4  }
0x22: {  	[tilespmem:s9+$0x30] =	vst v1  }
0x23: {  	v1 =	vld [tilespmem:s10+$0x420];
	_ =	sdelay $0x4  }
0x24: {  	[tilespmem:s9+$0x40] =	vst v1  }
0x25: {  	v1 =	vld [tilespmem:s10+$0x430];
	_ =	sdelay $0x4  }
0x26: {  	s10 =	sor.u32 $0x440, s10;
	[tilespmem:s9+$0x50] =	vst v1  }
0x27: {  	v2 =	vld.msk [tilespmem:s10+$0x0], $0xff;
	_ =	sdelay $0x4  }
0x28: {  	v1 =	vperm.xlane v1, v0;
	v2 =	vperm.xlane v2, v0  }
0x29: {  	s31 =	simm.s32 $0x100;
	s12 =	simm.s32 $0x200;
	s11 =	simm.s32 $0x80  }
0x2a: {  	s13 =	sand.u32 $0x7800, s31;
	s14 =	sand.u32 $0x380, s11;
	s10 =	simm.s32 $0x0;
	v1 =	vsel vm0, v1, v2  }
.LBB2_2:
0x2b: {  	p0 =	sne.s32 s12, $0x7F00;
	s13 =	sor.u32 s14, s13;
	[tilespmem:s9+$0x58] =	vst v1  }
0x2c: {  	v1 =	vld [tilespmem:s13+$0x0];
	_ =	sdelay $0x3  }
0x2d: {  	s9 =	sadd.s32 $0xC8, s9  }
0x2e: {  	[tilespmem:s9+$0xFFFFFFA0] =	vst v1  }
0x2f: {  	v1 =	vld [tilespmem:s13+$0x10];
	_ =	sdelay $0x4  }
0x30: {  	[tilespmem:s9+$0xFFFFFFB0] =	vst v1  }
0x31: {  	v1 =	vld [tilespmem:s13+$0x20];
	_ =	sdelay $0x4  }
0x32: {  	[tilespmem:s9+$0xFFFFFFC0] =	vst v1  }
0x33: {  	v1 =	vld [tilespmem:s13+$0x30];
	_ =	sdelay $0x4  }
0x34: {  	[tilespmem:s9+$0xFFFFFFD0] =	vst v1  }
0x35: {  	v1 =	vld [tilespmem:s13+$0x40];
	_ =	sdelay $0x4  }
0x36: {  	[tilespmem:s9+$0xFFFFFFE0] =	vst v1  }
0x37: {  	v1 =	vld [tilespmem:s13+$0x50];
	_ =	sdelay $0x4  }
0x38: {  	[tilespmem:s9+$0xFFFFFFF0] =	vst v1  }
0x39: {  	v1 =	vld [tilespmem:s13+$0x60];
	_ =	sdelay $0x4  }
0x3a: {  	[tilespmem:s9+$0x0] =	vst v1  }
0x3b: {  	v1 =	vld [tilespmem:s13+$0x70];
	_ =	sdelay $0x4  }
0x3c: {  	[tilespmem:s9+$0x10] =	vst v1  }
0x3d: {  	v1 =	vld [tilespmem:s13+$0x400];
	_ =	sdelay $0x2  }
0x3e: {  	s10 =	sadd.s32 $0xC8, s10  }
0x3f: {  	s14 =	sand.u32 $0x7FF8, s10  }
0x40: {  	[tilespmem:s14+$0x8080] =	vst v1  }
0x41: {  	v1 =	vld [tilespmem:s13+$0x410];
	_ =	sdelay $0x4  }
0x42: {  	[tilespmem:s9+$0x30] =	vst v1  }
0x43: {  	v1 =	vld [tilespmem:s13+$0x420];
	_ =	sdelay $0x4  }
0x44: {  	[tilespmem:s9+$0x40] =	vst v1  }
0x45: {  	v1 =	vld [tilespmem:s13+$0x430];
	_ =	sdelay $0x4  }
0x46: {  	s13 =	sor.u32 $0x440, s13;
	[tilespmem:s9+$0x50] =	vst v1  }
0x47: {  	v2 =	vld.msk [tilespmem:s13+$0x0], $0xff;
	_ =	sdelay $0x2  }
.Ltmp0:
0x48: {  	(pc) =	sbr.rel @p0 .LBB2_2-.Ltmp0, $4  }
0x49: {  	_ = 	snop  }
0x4a: {  	v1 =	vperm.xlane v1, v0;
	v2 =	vperm.xlane v2, v0  }
0x4b: {  	s11 =	sadd.s32 $0x80, s11  }
0x4c: {  	s14 =	sand.u32 $0x380, s11;
	s13 =	sand.u32 $0x7800, s12;
	s12 =	sadd.s32 $0x100, s12;
	v1 =	vsel vm0, v1, v2  }
0x4d: {  	s11 =	sor.u32 s14, s13;
	[tilespmem:s9+$0x58] =	vst v1  }
0x4e: {  	v1 =	vld [tilespmem:s11+$0x0];
	_ =	sdelay $0x3  }
0x4f: {  	s30 =	sadd.s32 $0xC8, s9  }
0x50: {  	[tilespmem:s30+$0xFFFFFFA0] =	vst v1  }
0x51: {  	v1 =	vld [tilespmem:s11+$0x10];
	_ =	sdelay $0x4  }
0x52: {  	[tilespmem:s30+$0xFFFFFFB0] =	vst v1  }
0x53: {  	v1 =	vld [tilespmem:s11+$0x20];
	_ =	sdelay $0x4  }
0x54: {  	[tilespmem:s30+$0xFFFFFFC0] =	vst v1  }
0x55: {  	v1 =	vld [tilespmem:s11+$0x30];
	_ =	sdelay $0x4  }
0x56: {  	[tilespmem:s30+$0xFFFFFFD0] =	vst v1  }
0x57: {  	v1 =	vld [tilespmem:s11+$0x40];
	_ =	sdelay $0x4  }
0x58: {  	[tilespmem:s30+$0xFFFFFFE0] =	vst v1  }
0x59: {  	v1 =	vld [tilespmem:s11+$0x50];
	_ =	sdelay $0x4  }
0x5a: {  	[tilespmem:s30+$0xFFFFFFF0] =	vst v1  }
0x5b: {  	v1 =	vld [tilespmem:s11+$0x60];
	_ =	sdelay $0x4  }
0x5c: {  	[tilespmem:s30+$0x0] =	vst v1  }
0x5d: {  	v1 =	vld [tilespmem:s11+$0x70];
	_ =	sdelay $0x4  }
0x5e: {  	[tilespmem:s30+$0x10] =	vst v1  }
0x5f: {  	v1 =	vld [tilespmem:s11+$0x400];
	_ =	sdelay $0x2  }
0x60: {  	s10 =	sadd.s32 $0xC8, s10  }
0x61: {  	s10 =	sand.u32 $0x7FF8, s10  }
0x62: {  	[tilespmem:s10+$0x8080] =	vst v1  }
0x63: {  	v1 =	vld [tilespmem:s11+$0x410];
	_ =	sdelay $0x4  }
0x64: {  	[tilespmem:s30+$0x30] =	vst v1  }
0x65: {  	v1 =	vld [tilespmem:s11+$0x420];
	_ =	sdelay $0x4  }
0x66: {  	[tilespmem:s30+$0x40] =	vst v1  }
0x67: {  	v1 =	vld [tilespmem:s11+$0x430];
	_ =	sdelay $0x4  }
0x68: {  	s31 =	sor.u32 $0x440, s11;
	[tilespmem:s30+$0x50] =	vst v1  }
0x69: {  	v2 =	vld.msk [tilespmem:s31+$0x0], $0xff;
	_ =	sdelay $0x4  }
0x6a: {  	v1 =	vperm.xlane v1, v0;
	v2 =	vperm.xlane v2, v0  }
0x6b: {  	s8 =	sadd.s32 $0x1, s8  }
0x6c: {  	p0 =	sne.s32 s8, s5;
	v1 =	vsel vm0, v1, v2  }
.Ltmp1:
0x6d: {  	[tilespmem:s30+$0x58] =	vst v1;
	(pc) =	sbr.rel @p0 .LBB2_1-.Ltmp1, $4  }
0x6e: {  	[hbm4b:s4+s2] =	stream.linear.scatter [tilespmem:s7], [sflag:$0x1], $0x6400, $0x38;
	[tilespmem:$0xE400] =	vst v63  }
0x6f: {  	_ =	swait.ge [sflag:s6], $0x6400  }
0x70: {  	[sflag:s6] =	ssyncset.done $0x0  }
0x71: {  	[sflag:s6] =	ssyncadd.s32 $0xFFFF9C00  }
0x72: {  	_ =	sfence.sel $0x180000  }
0x73: {  	[bflag:$0x0] =	sbarrier.arrive $0xFFFF  }
0x74: {  	p0 =	sne.s32 s0, $0x0;
	_ =	strace $0x90000047  }
0x75: {  	s0 =	sadd.s32 @!p0 $0x100000, s1;
	[bflag:$0x2] =	sbarrier.arrive $0xFFFF  }
0x76: {  	[sflag:s0] =	ssyncadd.tile.s32 @!p0 $0x1;
	_ =	shalt  }
.Lfunc_end2:
_tile_overlayer_lowered:
.L_overlay_start_2:
0x77: {  	(tag) =	ssettag $0x2  }
0x78: {  	s0 =	rddreg [dreg:$0x0];
	s2 =	stileid.u32  }
0x79: {  	s1 =	rddreg [dreg:$0x1];
	p0 =	sne.s32 s2, $0x0  }
0x7a: {  	s3 =	rddreg [dreg:$0x2];
	[bflag:$0x3] =	sbarrier.arrive $0xFFFF;
	s2 =	simm.s32 @!p0 $0x1C01  }
0x7b: {  	[timem:s3], [sflag:s2] =	dma.local @!p0 [hbm:s0], s1  }
0x7c: {  	s0 =	simm.s32 @!p0 $0x1  }
0x7d: {  	_ =	swait.ge @!p0 [sflag:s0], s1  }
0x7e: {  	s1 =	ssub.s32 @!p0 $0x0, s1;
	[sflag:s0] =	ssyncset.done @!p0 $0x0  }
0x7f: {  	[sflag:s0] =	ssyncadd.s32 @!p0 s1  }
0x80: {  	[bflag:$0x3] =	sbarrier.arrive $0xFFFF  }
0x81: {  	_ =	shalt  }

// kernel: _run.7.cloned.1.call-start
scs
__scs_entry_jumppad:
0x0: {  	(pc) =	sbr.rel $0x88, $3  }
0x1: {  	(tag) =	ssettag $0x0;
	lr =	simm.s32 $0x1  }
0x2: {  	[smem:$0x3F9E] =	sst lr;
	_ =	strace $0xD0000000  }
0x3: {  	_ = 	snop  }
0x4: {  	_ = 	snop  }
0x5: {  	_ = 	snop  }
0x6: {  	_ = 	snop  }
0x7: {  	_ = 	snop  }
__scs_overlays_trampoline_lowered:
0x8: {  	[smem:$0x3FAD] =	sst s0  }
0x9: {  	[smem:$0x3FAE] =	sst s1  }
0xa: {  	[smem:$0x3FAF] =	sst s2  }
0xb: {  	[smem:$0x3FB0] =	sst s3  }
0xc: {  	[smem:$0x3FB1] =	sst s4  }
0xd: {  	[smem:$0x3FB2] =	sst s5  }
0xe: {  	[smem:$0x3FB3] =	sst s6  }
0xf: {  	[smem:$0x3FB4] =	sst s7  }
0x10: {  	[smem:$0x3FB5] =	sst s8  }
0x11: {  	[smem:$0x3FB6] =	sst s9;
	s0 =	simm.s32 @!p0 $0x0  }
0x12: {  	s1 =	sld [smem:$0x3F9C];
	s0 =	simm.s32 @p0 $0x1  }
0x13: {  	[smem:$0x3FB7] =	sst s0;
	s0 =	simm.s32 @!p1 $0x0  }
0x14: {  	s2 =	sld [smem:$0x3F9B];
	s0 =	simm.s32 @p1 $0x1  }
0x15: {  	[smem:$0x3FB8] =	sst s0;
	s0 =	simm.s32 @!p2 $0x0  }
0x16: {  	s3 =	sld [smem:$0x3FDB];
	s0 =	simm.s32 @p2 $0x1  }
0x17: {  	s4 =	simm.s32 $0x1BF5;
	[smem:$0x3FBA] =	sst s0  }
0x18: {  	s0 =	sld [smem:$0x3F9D];
	_ =	swait.ge [sflag:s4], $0x0  }
0x19: {  	s7 =	sld [smem:$0x3F9E]  }
0x1a: {  	s8 =	sadd.s32 $0xFFFFE003, lr  }
0x1b: {  	s9 =	sadd.s32 $0xFFFFFEF7, lr;
	s5 =	simm.s32 $0xFFFFFFFF;
	p2 =	slt.u32 s8, $0xFFFFF086  }
0x1c: {  	p1 =	slt.u32 s9, $0xF7A;
	s5 =	simm.s32 @!p2 $0x0  }
0x1d: {  	s5 =	simm.s32 @p1 $0x1;
	p0 =	seq.s32 s7, s2  }
0x1e: {  	s7 =	smul.u32 @!p0 $0xF7A, s2;
	p2 =	seq.s32 @!p0 s5, $0x0  }
0x1f: {  	s9 =	smul.u32 $0xF7A, s1;
	s8 =	simm.s32 @!p0 $0x1BF5;
	p2 =	por !p2, p0  }
0x20: {  	[sflag:s8] =	ssyncset.s32 @!p0 $0xFFFFF086;
	s6 =	sadd.s32 @!p0 s3, s7;
	s7 =	simm.s32 @!p0 $0x108  }
0x21: {  	s3 =	sadd.s32 s3, s9;
	s6 =	sadd.s32 @!p0 $0x88, s6;
	s7 =	simm.s32 @p2 $0x1082  }
0x22: {  	[simem:s7], [sflag:s8] =	dma.local @!p0 [hbm:s6], $0xF7A  }
0x23: {  	s9 =	sor.u32 $0xD0000000, s2;
	s6 =	simm.s32 $0x108;
	_ =	swait.ge @!p0 [sflag:s8], $0x0  }
0x24: {  	s3 =	sadd.s32 $0x88, s3;
	s6 =	simm.s32 @!p1 $0x1082;
	[sflag:s4] =	ssyncset.s32 $0xFFFFF086  }
0x25: {  	[simem:s6], [sflag:s4] =	dma.local [hbm:s3], $0xF7A  }
0x26: {  	[smem:$0x3F9E] =	sst s1;
	(tag) =	ssettag s2;
	_ =	strace s9  }
0x27: {  	s1 =	sld [smem:$0x3FAE]  }
0x28: {  	s2 =	sld [smem:$0x3FAF]  }
0x29: {  	s4 =	sld [smem:$0x3FB1]  }
0x2a: {  	p0 =	seq.s32 s5, $0x0;
	s5 =	sld [smem:$0x3FB2]  }
0x2b: {  	s6 =	sld [smem:$0x3FB3]  }
0x2c: {  	s7 =	sld [smem:$0x3FB4]  }
0x2d: {  	s3 =	simm.s32 $0x108;
	s8 =	sld [smem:$0x3FB5]  }
0x2e: {  	s3 =	simm.s32 @!p0 $0x1082;
	s9 =	sld [smem:$0x3FB6]  }
0x2f: {  	lr =	sadd.s32 s0, s3;
	s0 =	sld [smem:$0x3FAD]  }
0x30: {  	s3 =	sld [smem:$0x3FB0]  }
0x31: {  	[smem:$0x3FB9] =	sst s10  }
0x32: {  	s10 =	sld [smem:$0x3FB7];
	_ =	sdelay $0x3  }
0x33: {  	p0 =	seq.s32 s10, $0x1;
	s10 =	sld [smem:$0x3FB9];
	_ =	sdelay $0x3  }
0x34: {  	[smem:$0x3FB9] =	sst s10  }
0x35: {  	s10 =	sld [smem:$0x3FB8];
	_ =	sdelay $0x3  }
0x36: {  	p1 =	seq.s32 s10, $0x1;
	s10 =	sld [smem:$0x3FB9];
	_ =	sdelay $0x3  }
0x37: {  	[smem:$0x3FB9] =	sst s10  }
0x38: {  	s10 =	sld [smem:$0x3FBA]  }
0x39: {  	_ = 	snop;
	(pc) =	sbr.ind lr, $3  }
0x3a: {  	_ = 	snop  }
0x3b: {  	_ = 	snop  }
0x3c: {  	p2 =	seq.s32 s10, $0x1;
	s10 =	sld [smem:$0x3FB9]  }
0x3d: {  	_ =	shalt  }
0x3e: {  	_ =	shalt  }
0x3f: {  	_ =	shalt  }
0x40: {  	_ =	shalt  }
0x41: {  	_ =	shalt  }
0x42: {  	_ =	shalt  }
0x43: {  	_ =	shalt  }
0x44: {  	_ =	shalt  }
0x45: {  	_ =	shalt  }
0x46: {  	_ =	shalt  }
0x47: {  	_ =	shalt  }
0x48: {  	_ =	shalt  }
0x49: {  	_ =	shalt  }
0x4a: {  	_ =	shalt  }
0x4b: {  	_ =	shalt  }
0x4c: {  	_ =	shalt  }
0x4d: {  	_ =	shalt  }
0x4e: {  	_ =	shalt  }
0x4f: {  	_ =	shalt  }
0x50: {  	_ =	shalt  }
0x51: {  	_ =	shalt  }
0x52: {  	_ =	shalt  }
0x53: {  	_ =	shalt  }
0x54: {  	_ =	shalt  }
0x55: {  	_ =	shalt  }
0x56: {  	_ =	shalt  }
0x57: {  	_ =	shalt  }
0x58: {  	_ =	shalt  }
0x59: {  	_ =	shalt  }
0x5a: {  	_ =	shalt  }
0x5b: {  	_ =	shalt  }
0x5c: {  	_ =	shalt  }
0x5d: {  	_ =	shalt  }
0x5e: {  	_ =	shalt  }
0x5f: {  	_ =	shalt  }
0x60: {  	_ =	shalt  }
0x61: {  	_ =	shalt  }
0x62: {  	_ =	shalt  }
0x63: {  	_ =	shalt  }
0x64: {  	_ =	shalt  }
0x65: {  	_ =	shalt  }
0x66: {  	_ =	shalt  }
0x67: {  	_ =	shalt  }
0x68: {  	_ =	shalt  }
0x69: {  	_ =	shalt  }
0x6a: {  	_ =	shalt  }
0x6b: {  	_ =	shalt  }
0x6c: {  	_ =	shalt  }
0x6d: {  	_ =	shalt  }
0x6e: {  	_ =	shalt  }
0x6f: {  	_ =	shalt  }
0x70: {  	_ =	shalt  }
0x71: {  	_ =	shalt  }
0x72: {  	_ =	shalt  }
0x73: {  	_ =	shalt  }
0x74: {  	_ =	shalt  }
0x75: {  	_ =	shalt  }
0x76: {  	_ =	shalt  }
0x77: {  	_ =	shalt  }
0x78: {  	_ =	shalt  }
0x79: {  	_ =	shalt  }
0x7a: {  	_ =	shalt  }
0x7b: {  	_ =	shalt  }
0x7c: {  	_ =	shalt  }
0x7d: {  	_ =	shalt  }
0x7e: {  	_ =	shalt  }
0x7f: {  	_ =	shalt  }
0x80: {  	_ =	shalt  }
0x81: {  	_ =	shalt  }
0x82: {  	_ =	shalt  }
0x83: {  	_ =	shalt  }
0x84: {  	_ =	shalt  }
0x85: {  	_ =	shalt  }
0x86: {  	_ =	shalt  }
0x87: {  	_ =	shalt  }
.Lfunc_end0:
.L_simem_size_0:
called_computation.2_lowered:
.L_overlay_start_0:
0x88: {  	s2 =	sld [smem:$0x3FD9]  }
0x89: {  	s3 =	sld [smem:$0x3FFE];
	_ =	sdelay $0x1  }
0x8a: {  	s1 =	srdreg.scid  }
0x8b: {  	s0 =	sand.u32 $0x1, s1  }
0x8c: {  	s17 =	sshll.u32 s0, $0xA;
	s2 =	sadd.s32 s3, s2  }
0x8d: {  	s2 =	sadd.s32 s2, s17  }
0x8e: {  	[smem:$0x3FC5] =	sst s2  }
0x8f: {  	_ = 	snop  }
0x90: {  	s2 =	sld [smem:$0x3FD0];
	(tm) =	ssettm $0x1  }
0x91: {  	s18 =	sld [smem:$0x3FFB];
	_ =	sdelay $0x3  }
0x92: {  	_ =	strace s18  }
0x93: {  	s3 =	sld [smem:$0x3FFC];
	_ =	sdelay $0x3  }
0x94: {  	_ =	strace s3  }
0x95: {  	s3 =	sld [smem:$0x3FFD];
	_ =	sdelay $0x3  }
0x96: {  	_ =	strace s3  }
0x97: {  	_ =	strace $0x8FFFFFFF  }
0x98: {  	s19 =	sld [smem:$0x3FDB];
	_ =	sdelay $0x1  }
0x99: {  	s4 =	simm.s32 $_scs_section_size  }
0x9a: {  	s5 =	simm.s32 $_size__tile_overlayer_lowered;
	s6 =	simm.s32 $_tile_overlayer_lowered  }
0x9b: {  	s22 =	simm.s32 $0x1BFF;
	s21 =	sshll.u32 s6, $0x1;
	s3 =	sadd.s32 s4, s19  }
0x9c: {  	s7 =	simm.s32 $0x0;
	s20 =	sshll.u32 s5, $0x1;
	s5 =	sadd.s32 s21, s3  }
0x9d: {  	[timem:s7], [sflag:s22] =	dma.local [hbm:s5], s20  }
0x9e: {  	_ =	swait.ge [sflag:s22], s20  }
0x9f: {  	s4 =	ssub.s32 $0x0, s20;
	[sflag:s22] =	ssyncset.done $0x0  }
0xa0: {  	[sflag:s22] =	ssyncadd.s32 s4;
	_ =	sdelay $0x1  }
0xa1: {  	s23 =	simm.s32 $0x1B8B  }
0xa2: {  	_ =	swait.ge [sflag:s23], $0x1  }
0xa3: {  	[sflag:s23] =	ssyncset.done $0x0  }
0xa4: {  	s25 =	simm.s32 $0x1B8E;
	s24 =	sld [smem:$0x3FFE];
	[sflag:s23] =	ssyncadd.s32 $0xFFFFFFFF  }
0xa5: {  	s26 =	simm.s32 $execute0_lowered;
	[smem:$0x3FD2] =	sst s25  }
0xa6: {  	s5 =	sshll.u32 s26, $0x1;
	_ =	strace $0x80000049;
	[dreg:$0x1] =	wrdreg $0xFFFFFFFF  }
0xa7: {  	s28 =	simm.s32 $_size_execute0_lowered;
	s3 =	sadd.s32 s3, s5;
	[dreg:$0x0] =	wrdreg $0x0  }
0xa8: {  	s5 =	sshll.u32 s28, $0x1;
	[dreg:$0x2] =	wrdreg s3  }
0xa9: {  	[dreg:$0x3] =	wrdreg s5  }
0xaa: {  	[dreg:$0x4] =	wrdreg $0xC0  }
0xab: {  	_ =	task [dreg:s7], $0x5FFFF  }
0xac: {  	[dreg:$0x1] =	wrdreg $0xFFFFFFFF  }
0xad: {  	[dreg:$0x0] =	wrdreg $0x60  }
0xae: {  	[dreg:$0x2] =	wrdreg s24  }
0xaf: {  	[dreg:$0x3] =	wrdreg s2  }
0xb0: {  	[dreg:$0x4] =	wrdreg $0x9  }
0xb1: {  	_ =	task.clear_ibuf [dreg:s7], $0x5FFFF;
	_ =	strace $0x90000049  }
0xb2: {  	s29 =	simm.s32 $0x9;
	_ =	strace $0x8000004B  }
0xb3: {  	_ =	swait.ge [sflag:s29], $0x1  }
0xb4: {  	[sflag:s29] =	ssyncadd.s32 $0xFFFFFFFF  }
0xb5: {  	_ =	strace $0x9000004B  }
0xb6: {  	_ =	sfence  }
0xb7: {  	s30 =	sld [smem:$0x0];
	_ =	sdelay $0x2  }
0xb8: {  	s31 =	sshll.u32 s1, $0xD;
	s1 =	sshrl.u32 s1, $0x2  }
0xb9: {  	s3 =	sand.u32 $0x4000, s31;
	s1 =	sadd.s32 s1, s30  }
0xba: {  	s0 =	sor.u32 s3, s0;
	s1 =	sshll.u32 s1, $0x11  }
0xbb: {  	s0 =	sor.u32 s1, s0  }
0xbc: {  	s0 =	sadd.s32 $0x8F2B, s0  }
0xbd: {  	[sflag:s0] =	ssyncadd.remote.s32 $0x1  }
0xbe: {  	_ =	sfence.sel $0xFFFF  }
0xbf: {  	[dreg:$0x0] =	wrdreg $0xFFFFFFFF;
	(pc) =	sbr.abs _section_cstart, $3  }
0xc0: {  	[dreg:$0x1] =	wrdreg $0xFFFFFFFF  }
0xc1: {  	_ =	task.clear_ibuf [dreg:s7], $0x2FFFF;
	_ =	strace $0x9FFFFFFF  }
0xc2: {  	(tm) =	ssettm $0x7FFFFFFF  }
0xc3: {  	_ =	shalt  }
tec
execute0_lowered:
.L_overlay_start_1:
0x0: {  	(tag) =	ssettag $0x1  }
0x1: {  	s0 =	rddreg [dreg:$0x0]  }
0x2: {  	s1 =	simm.s32 $0x0;
	s30 =	srdreg.scid;
	s3 =	stileid.u32  }
0x3: {  	s10 =	simm.s32 $0x2;
	s11 =	simm.s32 $0x50;
	s9 =	simm.s32 $0x7440  }
0x4: {  	s8 =	simm.s32 $0x7E40;
	s12 =	simm.s32 $0x460;
	s13 =	simm.s32 $0x9240  }
0x5: {  	s14 =	simm.s32 $0x4B0;
	s15 =	simm.s32 $0x9C40;
	s16 =	simm.s32 $0x500  }
0x6: {  	s17 =	simm.s32 $0xA640;
	s18 =	simm.s32 $0x550;
	s19 =	simm.s32 $0xB040  }
0x7: {  	s20 =	simm.s32 $0x5A0;
	s21 =	simm.s32 $0xBA40;
	s22 =	simm.s32 $0x5F0  }
0x8: {  	s23 =	simm.s32 $0xC440;
	s24 =	simm.s32 $0x1;
	s25 =	simm.s32 $0xCE40  }
0x9: {  	s28 =	simm.s32 $0x0;
	[smem:$0x7FF] =	sst s1;
	s1 =	sand.u32 $0x1, s30  }
0xa: {  	s4 =	sadd.s32 $0xE00, s0;
	s3 =	sshll.u32 s3, $0x1;
	s5 =	sadd.s32 $0xF5C200, s0  }
0xb: {  	s0 =	sadd.s32 $0x19E00, s0;
	_ =	strace $0x8000004A;
	s2 =	ssub.s32 $0x2, s1  }
0xc: {  	s1 =	sor.u32 s1, s3;
	[dreg:$0x3] =	wrdreg s0;
	s6 =	sshrl.u32 s2, $0x1  }
0xd: {  	s3 =	simm.s32 $0x8840;
	s7 =	smul.u32 $0x6400, s1;
	s31 =	ssub.s32 s2, s6  }
0xe: {  	s1 =	simm.s32 $0x410;
	s2 =	simm.s32 $0x370;
	s0 =	smax.u32 s31, $0x1  }
0xf: {  	s6 =	simm.s32 $0x3C0;
	[dreg:$0x4] =	wrdreg s0;
	s0 =	simm.s32 $0x6A40  }
.LBB2_1:
0x10: {  	[dreg:$0x5] =	wrdreg s28  }
0x11: {  	s26 =	simm.s32 $0x0;
	s31 =	rddreg [dreg:$0x3];
	s29 =	simm.s32 $0x19640  }
0x12: {  	[tilespmem:s29], [sflag:$0x2] =	stream.linear.gather [hbm4b:s31+s26], $0x1900, $0x38;
	[tilespmem:$0x1AF40] =	vst v63  }
0x13: {  	_ =	swait.ge [sflag:s10], $0x1900  }
0x14: {  	[sflag:s10] =	ssyncset.done $0x0  }
0x15: {  	s26 =	simm.s32 $0x0;
	[sflag:s10] =	ssyncadd.s32 $0xFFFFE700  }
.LBB2_2:
0x16: {  	s28 =	smul.u32 $0x640, s26;
	_ =	sdelay $0x1  }
0x17: {  	s28 =	sadd.s32 s7, s28  }
0x18: {  	s29 =	sshrl.u32 s28, $0x3  }
0x19: {  	s30 =	simm.s32 $0x0;
	s29 =	sadd.s32 s4, s29  }
0x1a: {  	[tilespmem:s30], [sflag:$0x2] =	stream.linear.gather [hbm4b:s29+s30], $0x640, $0x38;
	[tilespmem:$0x1AF40] =	vst v63  }
0x1b: {  	_ =	swait.ge [sflag:s10], $0x640  }
0x1c: {  	[sflag:s10] =	ssyncset.done $0x0  }
0x1d: {  	s29 =	simm.s32 $0x640;
	[sflag:s10] =	ssyncadd.s32 $0xFFFFF9C0  }
0x1e: {  	[tilespmem:s29], [sflag:$0x1] =	stream.indirect.gather [hbm4b:s5+s11], $0x20, s30, s11, $0xb8;
	[tilespmem:$0x1AF40] =	vst v63  }
0x1f: {  	s29 =	simm.s32 $0x1040  }
0x20: {  	[tilespmem:s29], [sflag:$0x1] =	stream.indirect.gather [hbm4b:s5+s11], $0x20, s11, s11, $0xb8;
	[tilespmem:$0x1AF40] =	vst v63  }
0x21: {  	s30 =	simm.s32 $0x1A40;
	s29 =	simm.s32 $0xA0  }
0x22: {  	[tilespmem:s30], [sflag:$0x1] =	stream.indirect.gather [hbm4b:s5+s11], $0x20, s29, s11, $0xb8;
	[tilespmem:$0x1AF40] =	vst v63  }
0x23: {  	s29 =	simm.s32 $0xF0;
	s30 =	simm.s32 $0x2440  }
0x24: {  	[tilespmem:s30], [sflag:$0x1] =	stream.indirect.gather [hbm4b:s5+s11], $0x20, s29, s11, $0xb8;
	[tilespmem:$0x1AF40] =	vst v63  }
0x25: {  	s29 =	simm.s32 $0x140;
	s30 =	simm.s32 $0x2E40  }
0x26: {  	[tilespmem:s30], [sflag:$0x1] =	stream.indirect.gather [hbm4b:s5+s11], $0x20, s29, s11, $0xb8;
	[tilespmem:$0x1AF40] =	vst v63  }
0x27: {  	s29 =	simm.s32 $0x190;
	s30 =	simm.s32 $0x3840  }
0x28: {  	[tilespmem:s30], [sflag:$0x1] =	stream.indirect.gather [hbm4b:s5+s11], $0x20, s29, s11, $0xb8;
	[tilespmem:$0x1AF40] =	vst v63  }
0x29: {  	s29 =	simm.s32 $0x1E0;
	s30 =	simm.s32 $0x4240  }
0x2a: {  	[tilespmem:s30], [sflag:$0x1] =	stream.indirect.gather [hbm4b:s5+s11], $0x20, s29, s11, $0xb8;
	[tilespmem:$0x1AF40] =	vst v63  }
0x2b: {  	s29 =	simm.s32 $0x230;
	s30 =	simm.s32 $0x4C40  }
0x2c: {  	[tilespmem:s30], [sflag:$0x1] =	stream.indirect.gather [hbm4b:s5+s11], $0x20, s29, s11, $0xb8;
	[tilespmem:$0x1AF40] =	vst v63  }
0x2d: {  	s29 =	simm.s32 $0x280;
	s30 =	simm.s32 $0x5640  }
0x2e: {  	[tilespmem:s30], [sflag:$0x1] =	stream.indirect.gather [hbm4b:s5+s11], $0x20, s29, s11, $0xb8;
	[tilespmem:$0x1AF40] =	vst v63  }
0x2f: {  	s29 =	simm.s32 $0x2D0;
	s30 =	simm.s32 $0x6040  }
0x30: {  	[tilespmem:s30], [sflag:$0x1] =	stream.indirect.gather [hbm4b:s5+s11], $0x20, s29, s11, $0xb8;
	[tilespmem:$0x1AF40] =	vst v63  }
0x31: {  	s29 =	simm.s32 $0x320  }
0x32: {  	[tilespmem:s0], [sflag:$0x1] =	stream.indirect.gather [hbm4b:s5+s11], $0x20, s29, s11, $0xb8;
	[tilespmem:$0x1AF40] =	vst v63  }
0x33: {  	_ = 	snop  }
0x34: {  	[tilespmem:s9], [sflag:$0x1] =	stream.indirect.gather [hbm4b:s5+s11], $0x20, s2, s11, $0xb8;
	[tilespmem:$0x1AF40] =	vst v63  }
0x35: {  	_ = 	snop  }
0x36: {  	[tilespmem:s8], [sflag:$0x1] =	stream.indirect.gather [hbm4b:s5+s11], $0x20, s6, s11, $0xb8;
	[tilespmem:$0x1AF40] =	vst v63  }
0x37: {  	_ = 	snop  }
0x38: {  	[tilespmem:s3], [sflag:$0x1] =	stream.indirect.gather [hbm4b:s5+s11], $0x20, s1, s11, $0xb8;
	[tilespmem:$0x1AF40] =	vst v63  }
0x39: {  	_ = 	snop  }
0x3a: {  	[tilespmem:s13], [sflag:$0x1] =	stream.indirect.gather [hbm4b:s5+s11], $0x20, s12, s11, $0xb8;
	[tilespmem:$0x1AF40] =	vst v63  }
0x3b: {  	_ = 	snop  }
0x3c: {  	[tilespmem:s15], [sflag:$0x1] =	stream.indirect.gather [hbm4b:s5+s11], $0x20, s14, s11, $0xb8;
	[tilespmem:$0x1AF40] =	vst v63  }
0x3d: {  	_ = 	snop  }
0x3e: {  	[tilespmem:s17], [sflag:$0x1] =	stream.indirect.gather [hbm4b:s5+s11], $0x20, s16, s11, $0xb8;
	[tilespmem:$0x1AF40] =	vst v63  }
0x3f: {  	_ = 	snop  }
0x40: {  	[tilespmem:s19], [sflag:$0x1] =	stream.indirect.gather [hbm4b:s5+s11], $0x20, s18, s11, $0xb8;
	[tilespmem:$0x1AF40] =	vst v63  }
0x41: {  	_ = 	snop  }
0x42: {  	[tilespmem:s21], [sflag:$0x1] =	stream.indirect.gather [hbm4b:s5+s11], $0x20, s20, s11, $0xb8;
	[tilespmem:$0x1AF40] =	vst v63  }
0x43: {  	_ = 	snop  }
0x44: {  	[tilespmem:s23], [sflag:$0x1] =	stream.indirect.gather [hbm4b:s5+s11], $0x20, s22, s11, $0xb8;
	[tilespmem:$0x1AF40] =	vst v63  }
0x45: {  	_ =	swait.ge [sflag:s24], $0xA00  }
0x46: {  	[sflag:s24] =	ssyncset.done $0x0  }
0x47: {  	[sflag:s24] =	ssyncadd.s32 $0xFFFFF600  }
0x48: {  	_ =	swait.ge [sflag:s24], $0xA00  }
0x49: {  	[sflag:s24] =	ssyncset.done $0x0  }
0x4a: {  	[sflag:s24] =	ssyncadd.s32 $0xFFFFF600  }
0x4b: {  	_ =	swait.ge [sflag:s24], $0xA00  }
0x4c: {  	[sflag:s24] =	ssyncset.done $0x0  }
0x4d: {  	[sflag:s24] =	ssyncadd.s32 $0xFFFFF600  }
0x4e: {  	_ =	swait.ge [sflag:s24], $0xA00  }
0x4f: {  	[sflag:s24] =	ssyncset.done $0x0  }
0x50: {  	[sflag:s24] =	ssyncadd.s32 $0xFFFFF600  }
0x51: {  	_ =	swait.ge [sflag:s24], $0xA00  }
0x52: {  	[sflag:s24] =	ssyncset.done $0x0  }
0x53: {  	[sflag:s24] =	ssyncadd.s32 $0xFFFFF600  }
0x54: {  	_ =	swait.ge [sflag:s24], $0xA00  }
0x55: {  	[sflag:s24] =	ssyncset.done $0x0  }
0x56: {  	[sflag:s24] =	ssyncadd.s32 $0xFFFFF600  }
0x57: {  	_ =	swait.ge [sflag:s24], $0xA00  }
0x58: {  	[sflag:s24] =	ssyncset.done $0x0  }
0x59: {  	[sflag:s24] =	ssyncadd.s32 $0xFFFFF600  }
0x5a: {  	_ =	swait.ge [sflag:s24], $0xA00  }
0x5b: {  	[sflag:s24] =	ssyncset.done $0x0  }
0x5c: {  	[sflag:s24] =	ssyncadd.s32 $0xFFFFF600  }
0x5d: {  	_ =	swait.ge [sflag:s24], $0xA00  }
0x5e: {  	[sflag:s24] =	ssyncset.done $0x0  }
0x5f: {  	[sflag:s24] =	ssyncadd.s32 $0xFFFFF600  }
0x60: {  	_ =	swait.ge [sflag:s24], $0xA00  }
0x61: {  	[sflag:s24] =	ssyncset.done $0x0  }
0x62: {  	[sflag:s24] =	ssyncadd.s32 $0xFFFFF600  }
0x63: {  	_ =	swait.ge [sflag:s24], $0xA00  }
0x64: {  	[sflag:s24] =	ssyncset.done $0x0  }
0x65: {  	[sflag:s24] =	ssyncadd.s32 $0xFFFFF600  }
0x66: {  	_ =	swait.ge [sflag:s24], $0xA00  }
0x67: {  	[sflag:s24] =	ssyncset.done $0x0  }
0x68: {  	[sflag:s24] =	ssyncadd.s32 $0xFFFFF600  }
0x69: {  	_ =	swait.ge [sflag:s24], $0xA00  }
0x6a: {  	[sflag:s24] =	ssyncset.done $0x0  }
0x6b: {  	[sflag:s24] =	ssyncadd.s32 $0xFFFFF600  }
0x6c: {  	_ =	swait.ge [sflag:s24], $0xA00  }
0x6d: {  	[sflag:s24] =	ssyncset.done $0x0  }
0x6e: {  	[sflag:s24] =	ssyncadd.s32 $0xFFFFF600  }
0x6f: {  	_ =	swait.ge [sflag:s24], $0xA00  }
0x70: {  	[sflag:s24] =	ssyncset.done $0x0  }
0x71: {  	[sflag:s24] =	ssyncadd.s32 $0xFFFFF600  }
0x72: {  	_ =	swait.ge [sflag:s24], $0xA00  }
0x73: {  	[sflag:s24] =	ssyncset.done $0x0  }
0x74: {  	[sflag:s24] =	ssyncadd.s32 $0xFFFFF600  }
0x75: {  	_ =	swait.ge [sflag:s24], $0xA00  }
0x76: {  	[sflag:s24] =	ssyncset.done $0x0  }
0x77: {  	[sflag:s24] =	ssyncadd.s32 $0xFFFFF600  }
0x78: {  	_ =	swait.ge [sflag:s24], $0xA00  }
0x79: {  	[sflag:s24] =	ssyncset.done $0x0  }
0x7a: {  	[sflag:s24] =	ssyncadd.s32 $0xFFFFF600  }
0x7b: {  	_ =	swait.ge [sflag:s24], $0xA00  }
0x7c: {  	[sflag:s24] =	ssyncset.done $0x0  }
0x7d: {  	[sflag:s24] =	ssyncadd.s32 $0xFFFFF600  }
0x7e: {  	_ =	swait.ge [sflag:s24], $0xA00  }
0x7f: {  	[sflag:s24] =	ssyncset.done $0x0  }
0x80: {  	s29 =	simm.s32 $0x0;
	[sflag:s24] =	ssyncadd.s32 $0xFFFFF600  }
0x81: {  	v0 =	vld [tilespmem:s29+$0x19650]  }
0x82: {  	v2 =	vld [tilespmem:s29+$0xB550]  }
0x83: {  	v1 =	vld [tilespmem:s29+$0x19640]  }
0x84: {  	v3 =	vld [tilespmem:s29+$0x640]  }
0x85: {  	v4 =	vld [tilespmem:s29+$0x650]  }
0x86: {  	v5 =	vld [tilespmem:s29+$0x1F40]  }
0x87: {  	v6 =	vld [tilespmem:s29+$0x1F50]  }
0x88: {  	v7 =	vld [tilespmem:s29+$0x3840];
	v2 =	vadd.f32 v2, v0  }
0x89: {  	v8 =	vld [tilespmem:s29+$0x3850];
	v3 =	vadd.f32 v3, v1  }
0x8a: {  	v9 =	vld [tilespmem:s29+$0x5150];
	v4 =	vadd.f32 v4, v0;
	[tilespmem:s29+$0x17D50] =	vst v2  }
0x8b: {  	v2 =	vld [tilespmem:s29+$0x5140];
	[tilespmem:s29+$0xCE40] =	vst v3;
	v3 =	vadd.f32 v5, v1  }
0x8c: {  	v10 =	vld [tilespmem:s29+$0x6A40];
	[tilespmem:s29+$0xCE50] =	vst v4;
	v4 =	vadd.f32 v6, v0  }
0x8d: {  	v11 =	vld [tilespmem:s29+$0x6A50];
	[tilespmem:s29+$0xE740] =	vst v3;
	v3 =	vadd.f32 v7, v1  }
0x8e: {  	v12 =	vld [tilespmem:s29+$0x8340];
	[tilespmem:s29+$0xE750] =	vst v4;
	v4 =	vadd.f32 v8, v0  }
0x8f: {  	v6 =	vadd.f32 v9, v0;
	[tilespmem:s29+$0x10040] =	vst v3;
	v3 =	vld [tilespmem:s29+$0x8350]  }
0x90: {  	[tilespmem:s29+$0x10050] =	vst v4;
	v4 =	vld [tilespmem:s29+$0x9C40];
	v2 =	vadd.f32 v2, v1  }
0x91: {  	v5 =	vld [tilespmem:s29+$0x9C50];
	[tilespmem:s29+$0x11950] =	vst v6;
	v8 =	vadd.f32 v10, v1  }
0x92: {  	s30 =	simm.s32 $0x20;
	v6 =	vld [tilespmem:s29+$0xB540];
	v7 =	vadd.f32 v11, v0;
	[tilespmem:s29+$0x11940] =	vst v2  }
0x93: {  	s31 =	simm.s32 $0x100;
	v2 =	vld [tilespmem:s30+$0x19650];
	[tilespmem:s29+$0x13240] =	vst v8;
	v8 =	vadd.f32 v12, v1  }
.LBB2_3:
0x94: {  	p0 =	sne.s32 s31, $0x6380;
	v9 =	vld [tilespmem:s30+$0xB550];
	[tilespmem:s29+$0x13250] =	vst v7;
	v3 =	vadd.f32 v3, v0  }
0x95: {  	v7 =	vld [tilespmem:s30+$0x19640];
	[tilespmem:s29+$0x14B40] =	vst v8;
	v4 =	vadd.f32 v4, v1  }
0x96: {  	v8 =	vld [tilespmem:s30+$0x640];
	[tilespmem:s29+$0x14B50] =	vst v3;
	v5 =	vadd.f32 v5, v0  }
0x97: {  	v3 =	vld [tilespmem:s30+$0x650];
	[tilespmem:s29+$0x16440] =	vst v4;
	v10 =	vadd.f32 v6, v1  }
0x98: {  	v4 =	vld [tilespmem:s30+$0x1F40];
	[tilespmem:s29+$0x16450] =	vst v5;
	v0 =	vmov v2  }
0x99: {  	v2 =	vld [tilespmem:s30+$0x1F50];
	v5 =	vadd.f32 v9, v0;
	[tilespmem:s29+$0x17D40] =	vst v10;
	s29 =	smov.u32 s30  }
0x9a: {  	v6 =	vld [tilespmem:s29+$0x3840];
	v1 =	vmov v7  }
0x9b: {  	v7 =	vadd.f32 v8, v1;
	v8 =	vld [tilespmem:s29+$0x3850];
	[tilespmem:s29+$0x17D50] =	vst v5  }
0x9c: {  	v3 =	vadd.f32 v3, v0;
	v5 =	vld [tilespmem:s29+$0x5140]  }
0x9d: {  	[tilespmem:s29+$0xCE40] =	vst v7;
	v4 =	vadd.f32 v4, v1;
	v7 =	vld [tilespmem:s29+$0x5150]  }
0x9e: {  	[tilespmem:s29+$0xCE50] =	vst v3;
	v2 =	vadd.f32 v2, v0;
	v9 =	vld [tilespmem:s29+$0x6A40]  }
0x9f: {  	[tilespmem:s29+$0xE740] =	vst v4;
	v3 =	vadd.f32 v6, v1;
	v6 =	vld [tilespmem:s29+$0x6A50]  }
0xa0: {  	[tilespmem:s29+$0xE750] =	vst v2;
	v2 =	vadd.f32 v8, v0;
	v8 =	vld [tilespmem:s29+$0x8340]  }
.Ltmp0:
0xa1: {  	[tilespmem:s29+$0x10040] =	vst v3;
	v5 =	vadd.f32 v5, v1;
	v3 =	vld [tilespmem:s29+$0x8350];
	(pc) =	sbr.rel @p0 .LBB2_3-.Ltmp0, $4  }
0xa2: {  	[tilespmem:s29+$0x10050] =	vst v2;
	v2 =	vadd.f32 v7, v0;
	v4 =	vld [tilespmem:s29+$0x9C40]  }
0xa3: {  	[tilespmem:s29+$0x11940] =	vst v5;
	v9 =	vadd.f32 v9, v1;
	v5 =	vld [tilespmem:s29+$0x9C50]  }
0xa4: {  	s30 =	sshra.s32 s31, $0x2;
	[tilespmem:s29+$0x11950] =	vst v2;
	v7 =	vadd.f32 v6, v0;
	v6 =	vld [tilespmem:s29+$0xB540]  }
0xa5: {  	s31 =	sadd.s32 $0x80, s31;
	v2 =	vld [tilespmem:s30+$0x19650];
	[tilespmem:s29+$0x13240] =	vst v9;
	v8 =	vadd.f32 v8, v1  }
0xa6: {  	v9 =	vld [tilespmem:s30+$0xB550];
	[tilespmem:s29+$0x13250] =	vst v7;
	v3 =	vadd.f32 v3, v0  }
0xa7: {  	v7 =	vld [tilespmem:s30+$0x19640];
	[tilespmem:s29+$0x14B40] =	vst v8;
	v4 =	vadd.f32 v4, v1  }
0xa8: {  	v8 =	vld [tilespmem:s30+$0x640];
	[tilespmem:s29+$0x14B50] =	vst v3;
	v47 =	vadd.f32 v5, v0  }
0xa9: {  	v3 =	vld [tilespmem:s30+$0x650];
	[tilespmem:s29+$0x16440] =	vst v4;
	v48 =	vadd.f32 v6, v1  }
0xaa: {  	v4 =	vld [tilespmem:s30+$0x1F40];
	[tilespmem:s29+$0x16450] =	vst v47  }
0xab: {  	v0 =	vld [tilespmem:s30+$0x1F50];
	[tilespmem:s29+$0x17D40] =	vst v48  }
0xac: {  	v49 =	vadd.f32 v9, v2;
	v50 =	vld [tilespmem:s30+$0x3840]  }
0xad: {  	v51 =	vld [tilespmem:s30+$0x3850];
	v8 =	vadd.f32 v8, v7  }
0xae: {  	v52 =	vld [tilespmem:s30+$0x5140];
	[tilespmem:s30+$0x17D50] =	vst v49;
	v3 =	vadd.f32 v3, v2  }
0xaf: {  	v53 =	vld [tilespmem:s30+$0x5150];
	[tilespmem:s30+$0xCE40] =	vst v8;
	v4 =	vadd.f32 v4, v7  }
0xb0: {  	v54 =	vld [tilespmem:s30+$0x6A40];
	[tilespmem:s30+$0xCE50] =	vst v3;
	v0 =	vadd.f32 v0, v2  }
0xb1: {  	v55 =	vld [tilespmem:s30+$0x6A50];
	[tilespmem:s30+$0xE740] =	vst v4;
	v5 =	vadd.f32 v50, v7  }
0xb2: {  	v57 =	vld [tilespmem:s30+$0x8350];
	v6 =	vadd.f32 v51, v2;
	[tilespmem:s30+$0xE750] =	vst v0  }
0xb3: {  	v58 =	vld [tilespmem:s30+$0x9C40];
	v1 =	vadd.f32 v52, v7;
	[tilespmem:s30+$0x10040] =	vst v5  }
0xb4: {  	v60 =	vld [tilespmem:s30+$0xB540];
	v8 =	vadd.f32 v53, v2;
	[tilespmem:s30+$0x10050] =	vst v6  }
0xb5: {  	v56 =	vld [tilespmem:s30+$0x8340];
	v3 =	vadd.f32 v54, v7;
	[tilespmem:s30+$0x11940] =	vst v1  }
0xb6: {  	v59 =	vld [tilespmem:s30+$0x9C50];
	v4 =	vadd.f32 v55, v2;
	[tilespmem:s30+$0x11950] =	vst v8  }
0xb7: {  	v61 =	vadd.f32 v57, v2;
	[tilespmem:s30+$0x13240] =	vst v3  }
0xb8: {  	v62 =	vadd.f32 v58, v7;
	[tilespmem:s30+$0x13250] =	vst v4  }
0xb9: {  	v63 =	vadd.f32 v60, v7;
	[tilespmem:s30+$0x14B50] =	vst v61  }
0xba: {  	v0 =	vadd.f32 v56, v7;
	[tilespmem:s30+$0x16440] =	vst v62  }
0xbb: {  	v1 =	vadd.f32 v59, v2;
	[tilespmem:s30+$0x17D40] =	vst v63  }
0xbc: {  	s26 =	sadd.s32 $0x1, s26;
	[tilespmem:s30+$0x14B40] =	vst v0  }
0xbd: {  	s28 =	sshll.u32 s28, $0x2;
	p0 =	sne.s32 s26, $0x10;
	[tilespmem:s30+$0x16450] =	vst v1;
	s30 =	rddreg [dreg:$0x1]  }
.Ltmp1:
0xbe: {  	s31 =	simm.s32 $0x0;
	s28 =	sadd.s32 s30, s28;
	(pc) =	sbr.rel @p0 .LBB2_2-.Ltmp1, $4  }
0xbf: {  	[hbm4b:s28+s31] =	stream.linear.scatter [tilespmem:s25], [sflag:$0x2], $0xC800, $0x38;
	[tilespmem:$0x1AF40] =	vst v63  }
0xc0: {  	_ =	swait.ge [sflag:s10], $0xC800  }
0xc1: {  	[sflag:s10] =	ssyncset.done $0x0  }
0xc2: {  	[sflag:s10] =	ssyncadd.s32 $0xFFFF3800  }
0xc3: {  	s28 =	rddreg [dreg:$0x5]  }
0xc4: {  	s26 =	rddreg [dreg:$0x4];
	s28 =	sadd.s32 $0x1, s28  }
0xc5: {  	p0 =	sne.s32 s28, s26  }
.Ltmp2:
0xc6: {  	_ = 	snop;
	(pc) =	sbr.rel @p0 .LBB2_1-.Ltmp2, $1  }
0xc7: {  	_ =	sdelay $0x3  }
0xc8: {  	_ =	sfence.sel $0x180000  }
0xc9: {  	[bflag:$0x0] =	sbarrier.arrive $0xFFFF  }
0xca: {  	_ =	strace $0x9000004A  }
0xcb: {  	s0 =	stileid.u32;
	[bflag:$0x2] =	sbarrier.arrive $0xFFFF  }
0xcc: {  	p0 =	sne.s32 s0, $0x0;
	s0 =	rddreg [dreg:$0x2]  }
0xcd: {  	s0 =	sadd.s32 @!p0 $0x100000, s0  }
0xce: {  	[sflag:s0] =	ssyncadd.tile.s32 @!p0 $0x1;
	_ =	shalt  }
.Lfunc_end2:
_tile_overlayer_lowered:
.L_overlay_start_2:
0xcf: {  	(tag) =	ssettag $0x2  }
0xd0: {  	s0 =	rddreg [dreg:$0x0];
	s2 =	stileid.u32  }
0xd1: {  	s1 =	rddreg [dreg:$0x1];
	p0 =	sne.s32 s2, $0x0  }
0xd2: {  	s3 =	rddreg [dreg:$0x2];
	[bflag:$0x3] =	sbarrier.arrive $0xFFFF;
	s2 =	simm.s32 @!p0 $0x1C02  }
0xd3: {  	[timem:s3], [sflag:s2] =	dma.local @!p0 [hbm:s0], s1  }
0xd4: {  	s0 =	simm.s32 @!p0 $0x2  }
0xd5: {  	_ =	swait.ge @!p0 [sflag:s0], s1  }
0xd6: {  	s1 =	ssub.s32 @!p0 $0x0, s1;
	[sflag:s0] =	ssyncset.done @!p0 $0x0  }
0xd7: {  	[sflag:s0] =	ssyncadd.s32 @!p0 s1  }
0xd8: {  	[bflag:$0x3] =	sbarrier.arrive $0xFFFF  }
0xd9: {  	_ =	shalt  }

// kernel: sparse-core-data-format-call.cloned.1.call-start
scs
called_computation_lowered:
.L_overlay_start_0:
0x0: {  	s2 =	sld [smem:$0x3FD9]  }
0x1: {  	s3 =	sld [smem:$0x3FFE];
	_ =	sdelay $0x1  }
0x2: {  	s1 =	srdreg.scid  }
0x3: {  	s0 =	sand.u32 $0x1, s1  }
0x4: {  	s18 =	sshll.u32 s0, $0xA;
	s2 =	sadd.s32 s3, s2  }
0x5: {  	s2 =	sadd.s32 s2, s18  }
0x6: {  	[smem:$0x3FC5] =	sst s2  }
0x7: {  	_ = 	snop  }
0x8: {  	s2 =	sld [smem:$0x3FD0];
	(tm) =	ssettm $0x1  }
0x9: {  	s19 =	sld [smem:$0x3FFB];
	_ =	sdelay $0x3  }
0xa: {  	_ =	strace s19  }
0xb: {  	s3 =	sld [smem:$0x3FFC];
	_ =	sdelay $0x3  }
0xc: {  	_ =	strace s3  }
0xd: {  	s3 =	sld [smem:$0x3FFD];
	_ =	sdelay $0x3  }
0xe: {  	_ =	strace s3  }
0xf: {  	_ =	strace $0x8FFFFFFF  }
0x10: {  	s20 =	sld [smem:$0x3FDB];
	_ =	sdelay $0x1  }
0x11: {  	s4 =	simm.s32 $_scs_section_size  }
0x12: {  	s5 =	simm.s32 $_size__tile_overlayer_lowered;
	s6 =	simm.s32 $_tile_overlayer_lowered  }
0x13: {  	s23 =	simm.s32 $0x1BFF;
	s22 =	sshll.u32 s6, $0x1;
	s3 =	sadd.s32 s4, s20  }
0x14: {  	s7 =	simm.s32 $0x0;
	s21 =	sshll.u32 s5, $0x1;
	s5 =	sadd.s32 s22, s3  }
0x15: {  	[timem:s7], [sflag:s23] =	dma.local [hbm:s5], s21  }
0x16: {  	_ =	swait.ge [sflag:s23], s21  }
0x17: {  	s4 =	ssub.s32 $0x0, s21;
	[sflag:s23] =	ssyncset.done $0x0  }
0x18: {  	[sflag:s23] =	ssyncadd.s32 s4;
	_ =	sdelay $0x1  }
0x19: {  	s24 =	simm.s32 $0x1B8B  }
0x1a: {  	_ =	swait.ge [sflag:s24], $0x1  }
0x1b: {  	[sflag:s24] =	ssyncset.done $0x0  }
0x1c: {  	s26 =	simm.s32 $0x1B8E;
	s25 =	sld [smem:$0x3FFE];
	[sflag:s24] =	ssyncadd.s32 $0xFFFFFFFF  }
0x1d: {  	s27 =	simm.s32 $execute0_lowered;
	[smem:$0x3FD2] =	sst s26  }
0x1e: {  	s5 =	sshll.u32 s27, $0x1;
	_ =	strace $0x8000004C;
	[dreg:$0x1] =	wrdreg $0xFFFFFFFF  }
0x1f: {  	s28 =	simm.s32 $_size_execute0_lowered;
	s3 =	sadd.s32 s3, s5;
	[dreg:$0x0] =	wrdreg $0x0  }
0x20: {  	s5 =	sshll.u32 s28, $0x1;
	[dreg:$0x2] =	wrdreg s3  }
0x21: {  	[dreg:$0x3] =	wrdreg s5  }
0x22: {  	[dreg:$0x4] =	wrdreg $0xC0  }
0x23: {  	_ =	task [dreg:s7], $0x5FFFF  }
0x24: {  	[dreg:$0x1] =	wrdreg $0xFFFFFFFF  }
0x25: {  	[dreg:$0x0] =	wrdreg $0x60  }
0x26: {  	[dreg:$0x2] =	wrdreg s25  }
0x27: {  	[dreg:$0x3] =	wrdreg s2  }
0x28: {  	[dreg:$0x4] =	wrdreg $0x9  }
0x29: {  	_ =	task.clear_ibuf [dreg:s7], $0x5FFFF;
	_ =	strace $0x9000004C  }
0x2a: {  	s29 =	simm.s32 $0x9;
	_ =	strace $0x8000004E  }
0x2b: {  	_ =	swait.ge [sflag:s29], $0x1  }
0x2c: {  	[sflag:s29] =	ssyncadd.s32 $0xFFFFFFFF  }
0x2d: {  	_ =	strace $0x9000004E  }
0x2e: {  	_ =	sfence  }
0x2f: {  	s30 =	sld [smem:$0x0];
	_ =	sdelay $0x2  }
0x30: {  	s31 =	sshll.u32 s1, $0xD;
	s1 =	sshrl.u32 s1, $0x2  }
0x31: {  	s3 =	sand.u32 $0x4000, s31;
	s1 =	sadd.s32 s1, s30  }
0x32: {  	s0 =	sor.u32 s3, s0;
	s1 =	sshll.u32 s1, $0x11  }
0x33: {  	s0 =	sor.u32 s1, s0  }
0x34: {  	s0 =	sadd.s32 $0x8F2B, s0  }
0x35: {  	[sflag:s0] =	ssyncadd.remote.s32 $0x1  }
0x36: {  	_ =	sfence.sel $0xFFFF  }
0x37: {  	[dreg:$0x0] =	wrdreg $0xFFFFFFFF;
	(pc) =	sbr.abs _section_cstart, $3  }
0x38: {  	[dreg:$0x1] =	wrdreg $0xFFFFFFFF  }
0x39: {  	_ =	task.clear_ibuf [dreg:s7], $0x2FFFF;
	_ =	strace $0x9FFFFFFF  }
0x3a: {  	(tm) =	ssettm $0x7FFFFFFF  }
0x3b: {  	_ =	shalt  }
tec
execute0_lowered:
.L_overlay_start_1:
0x0: {  	(tag) =	ssettag $0x1  }
0x1: {  	s0 =	srdreg.scid  }
0x2: {  	s1 =	sshll.u32 s0, $0x4  }
0x3: {  	s0 =	stileid.u32;
	s1 =	sand.u32 $0x10, s1  }
0x4: {  	s1 =	sor.u32 s0, s1  }
0x5: {  	s6 =	rddreg [dreg:$0x0];
	s4 =	simm.s32 $0x1;
	s2 =	sshll.u32 s1, $0x7  }
0x6: {  	s7 =	simm.s32 $0x2;
	s12 =	simm.s32 $0x0;
	s1 =	ssub.s32 $0x1000, s2  }
0x7: {  	s8 =	simm.s32 $0x8000;
	s13 =	simm.s32 $0x0;
	s3 =	sand.u32 $0xF80, s1  }
0x8: {  	s9 =	simm.s32 $0x0;
	s5 =	sshrl.u32 s1, $0xC;
	p0 =	sne.s32 s3, $0x0  }
.Ltmp0:
0x9: {  	s1 =	rddreg [dreg:$0x2];
	s4 =	simm.s32 @!p0 $0x0;
	(pc) =	sbr.rel .LBB1_1-.Ltmp0, $4  }
0xa: {  	s11 =	simm.s32 $0x0;
	s3 =	rddreg [dreg:$0x1];
	s5 =	sadd.s32 s4, s5  }
0xb: {  	_ =	strace $0x8000004D;
	s4 =	simm.s32 $0x1;
	s5 =	smul.u32 $0xC8, s5  }
0xc: {  	s6 =	sadd.s32 $0xE00, s6;
	s10 =	smov.u32 s2;
	[sflag:s4] =	ssyncpa.u1 $0x0  }
0xd: {  	p0 =	por $0x0, $0x0;
	[sflag:s7] =	ssyncpa.u1 $0x0;
	s7 =	sor.u32 $0x1, s5  }
.LBB1_4:
0xe: {  	s16 =	sshll.u32 s13, $0x3;
	s17 =	sand.u32 $0x78, s13  }
0xf: {  	s30 =	sand.u32 $0x3E00, s13;
	s12 =	sshll.u32 s12, $0xE;
	s16 =	sand.u32 $0xC00, s16  }
0x10: {  	s31 =	sand.u32 $0x7, s13;
	s16 =	sor.u32 s17, s16;
	s17 =	sadd.s32 s3, s30  }
0x11: {  	s13 =	sshll.u32 s31, $0x12;
	s16 =	sshrl.u32 s16, $0x3;
	s12 =	sadd.s32 s12, s17  }
0x12: {  	[tilespmem:s15+$0x0 ss:$0x81] =	vst.msk $0xffff, v0;
	s13 =	sor.u32 $0x400, s13;
	s12 =	sadd.s32 s16, s12  }
0x13: {  	[hbm4b:s12+s13] =	stream.strided.scatter [tilespmem:s14], [sflag:$0x2], $0x1000, s8, s13, $0x20;
	[tilespmem:$0x4040] =	vst v63  }
.LBB1_5:
0x14: {  	s14 =	sadd.s32 $0x1, s9  }
0x15: {  	s12 =	sadd.s32 $0x1000, s10;
	s16 =	smov.u32 s10;
	p2 =	sgt.s32 s14, $0xC7  }
0x16: {  	s16 =	smov.u32 @p2 s12  }
0x17: {  	s14 =	simm.s32 @p2 $0x0;
	p2 =	sgt.s32 s16, $0xFFF  }
0x18: {  	s16 =	smov.u32 @p2 s2;
	p2 =	sne.s32 s11, s7  }
.Ltmp1:
0x19: {  	p1 =	slt.u32 s11, $0x2;
	(pc) =	sbr.rel @!p2 .LBB1_6-.Ltmp1, $4  }
0x1a: {  	s15 =	simm.s32 @!p1 $0x2  }
0x1b: {  	s13 =	smov.u32 s10;
	p0 =	por !p0, !p0;
	_ =	swait.ge @!p1 [sflag:s15], $0x1000  }
0x1c: {  	s12 =	smov.u32 s9;
	[sflag:s15] =	ssyncset.done @!p1 $0x0;
	s9 =	smov.u32 s14  }
0x1d: {  	s11 =	sadd.s32 $0x1, s11;
	[sflag:s15] =	ssyncadd.s32 @!p1 $0xFFFFF000;
	s10 =	smov.u32 s16  }
.LBB1_1:
0x1e: {  	p1 =	sge.u32 s11, s5  }
0x1f: {  	s14 =	sand.u32 @!p1 $0x1FFFFFF, s9  }
0x20: {  	s15 =	smulhi.u32 @!p1 $0x147AE15, s14;
	_ =	sdelay $0x1  }
0x21: {  	s15 =	smul.u32 @!p1 $0xC8, s15  }
0x22: {  	s16 =	sxor.u32 @!p1 $0xFFFFFFFF, s11;
	s17 =	smul.u32 @!p1 $0xC80, s10  }
0x23: {  	s31 =	sadd.s32 $0xFFFFFFFF, s11;
	s16 =	sshll.u32 @!p1 s16, $0xC;
	s14 =	ssub.s32 @!p1 s14, s15  }
0x24: {  	s15 =	sand.u32 @!p1 $0x1000, s16;
	s16 =	sadd.s32 @!p1 s6, s17;
	s14 =	sshll.u32 @!p1 s14, $0x4  }
0x25: {  	s17 =	simm.s32 @!p1 $0x6400;
	s14 =	sadd.s32 @!p1 s14, s16;
	s16 =	simm.s32 @!p1 $0x20  }
0x26: {  	[tilespmem:s15], [sflag:$0x1] =	stream.strided.gather @!p1 [hbm4b:s14+s16], $0x1000, s17, s16, $0x38;
	[tilespmem:$0x4040] =	vst v63  }
0x27: {  	p1 =	sge.u32 s31, s5  }
.Ltmp2:
0x28: {  	_ = 	snop;
	(pc) =	sbr.rel @p1 .LBB1_5-.Ltmp2, $1  }
0x29: {  	_ =	sdelay $0x3  }
0x2a: {  	s14 =	simm.s32 $0x1  }
0x2b: {  	_ =	swait.ge [sflag:s4], $0x1000;
	s14 =	simm.s32 @!p0 $0x0  }
0x2c: {  	[sflag:s4] =	ssyncset.done $0x0;
	s15 =	sshll.u32 s14, $0xC  }
0x2d: {  	[sflag:s4] =	ssyncadd.s32 $0xFFFFF000;
	s18 =	sor.u32 $0x10, s15  }
0x2e: {  	s14 =	smul.u32 $0x4080, s14;
	v1 =	vld [tilespmem:s18+$0x0]  }
0x2f: {  	s30 =	sand.u32 $0x1, s11;
	v0 =	vld [tilespmem:s18+$0xFFFFFFF0]  }
0x30: {  	s15 =	smul.u32 $0x4080, s30;
	s14 =	sshrl.u32 s14, $0x2  }
0x31: {  	s16 =	sor.u32 $0x2000, s14  }
0x32: {  	s31 =	sshrl.u32 s15, $0x2;
	s15 =	sadd.s32 $0x0, s16  }
0x33: {  	s17 =	simm.s32 $0x4;
	s18 =	sadd.s32 $0x20, s18;
	s14 =	sor.u32 $0x2000, s31;
	[tilespmem:s15+$0x810 ss:$0x81] =	vst.msk $0xffff, v1  }
.LBB1_3:
0x34: {  	v1 =	vld [tilespmem:s18+$0x0];
	p1 =	sne.s32 s17, $0x1FC;
	[tilespmem:s15+$0x0 ss:$0x81] =	vst.msk $0xffff, v0;
	s15 =	smov.u32 s17;
	s17 =	sadd.s32 $0x4, s17  }
.Ltmp3:
0x35: {  	v0 =	vld [tilespmem:s18+$0xFFFFFFF0];
	(pc) =	sbr.rel @p1 .LBB1_3-.Ltmp3, $4  }
0x36: {  	_ = 	snop  }
0x37: {  	s15 =	sshra.s32 s15, $0x2  }
0x38: {  	s15 =	sadd.s32 s15, s16  }
0x39: {  	s18 =	sadd.s32 $0x20, s18;
	[tilespmem:s15+$0x810 ss:$0x81] =	vst.msk $0xffff, v1  }
.Ltmp4:
0x3a: {  	_ = 	snop;
	(pc) =	sbr.rel .LBB1_4-.Ltmp4, $1  }
0x3b: {  	_ =	sdelay $0x3  }
.LBB1_6:
0x3c: {  	_ =	sfence.sel $0x180000  }
0x3d: {  	s2 =	simm.s32 $0x1;
	[bflag:$0x0] =	sbarrier.arrive $0xFFFF  }
0x3e: {  	s31 =	simm.s32 $0x2;
	[sflag:s2] =	ssyncpa.u1 $0x1  }
0x3f: {  	[sflag:s31] =	ssyncpa.u1 $0x1  }
0x40: {  	p0 =	sne.s32 s0, $0x0;
	_ =	strace $0x9000004D  }
0x41: {  	s0 =	sadd.s32 @!p0 $0x100000, s1;
	[bflag:$0x2] =	sbarrier.arrive $0xFFFF  }
0x42: {  	[sflag:s0] =	ssyncadd.tile.s32 @!p0 $0x1;
	_ =	shalt  }
.Lfunc_end1:
_tile_overlayer_lowered:
.L_overlay_start_2:
0x43: {  	(tag) =	ssettag $0x2  }
0x44: {  	s0 =	rddreg [dreg:$0x0];
	s2 =	stileid.u32  }
0x45: {  	s1 =	rddreg [dreg:$0x1];
	p0 =	sne.s32 s2, $0x0  }
0x46: {  	s3 =	rddreg [dreg:$0x2];
	[bflag:$0x3] =	sbarrier.arrive $0xFFFF;
	s2 =	simm.s32 @!p0 $0x1C01  }
0x47: {  	[timem:s3], [sflag:s2] =	dma.local @!p0 [hbm:s0], s1  }
0x48: {  	s0 =	simm.s32 @!p0 $0x1  }
0x49: {  	_ =	swait.ge @!p0 [sflag:s0], s1  }
0x4a: {  	s1 =	ssub.s32 @!p0 $0x0, s1;
	[sflag:s0] =	ssyncset.done @!p0 $0x0  }
0x4b: {  	[sflag:s0] =	ssyncadd.s32 @!p0 s1  }
0x4c: {  	[bflag:$0x3] =	sbarrier.arrive $0xFFFF  }
0x4d: {  	_ =	shalt  }

</sc_bundles>
